<compile_context>
chip_gen: v7x
topology: tpu7x:2x2x1
jax: 0.10.2.dev20260603
libtpu: 0.0.44.dev20260713+nightly
codegen_flags: <defaults>
</compile_context>

<pallas_src>
import jax
import jax.numpy as jnp
from jax import lax
from jax.experimental import pallas as pl
from jax.experimental.pallas import tpu as pltpu
from jax.experimental.pallas import tpu_sc as plsc

N_NODES = 10000
N_EDGES = 320000
H = 128

NC = 2
NS = 16
NW = NC * NS

EHS = (128000, 96000, 96000)
CHUNK = 128
NBUF = 2


def _make_sc_gather(n_chunks):
    rows_per_w = n_chunks * CHUNK
    pad_rows = rows_per_w * NW

    def body(z_hbm, idx_hbm, out_hbm, z_sh, idx_v, rows_v,
             sem_g0, sem_g1, sem_w0, sem_w1):
        sem_g = (sem_g0, sem_g1)
        sem_w = (sem_w0, sem_w1)
        sid = lax.axis_index("s")
        wid = sid * NC + lax.axis_index("c")
        row0 = wid * rows_per_w

        @pl.when(sid == 0)
        def _():
            pltpu.sync_copy(z_hbm, z_sh)

        pltpu.sync_copy(idx_hbm.at[pl.ds(wid * n_chunks, n_chunks)], idx_v)
        plsc.subcore_barrier()

        @pl.loop(0, n_chunks, step=NBUF)
        def _(g0):
            for b in range(NBUF):
                g = g0 + b

                @pl.when(g >= NBUF)
                def _():
                    prev = g - NBUF
                    pltpu.make_async_copy(
                        rows_v.at[b],
                        out_hbm.at[pl.ds(row0 + prev * CHUNK, CHUNK)],
                        sem_w[b]).wait()

                pltpu.async_copy(z_sh.at[idx_v.at[g]], rows_v.at[b],
                                 sem_g[b])
                pltpu.make_async_copy(z_hbm.at[pl.ds(0, CHUNK)],
                                      rows_v.at[b], sem_g[b]).wait()
                pltpu.async_copy(rows_v.at[b],
                                 out_hbm.at[pl.ds(row0 + g * CHUNK, CHUNK)],
                                 sem_w[b])

        for b in range(NBUF):
            last = n_chunks - NBUF + b
            pltpu.make_async_copy(
                rows_v.at[b],
                out_hbm.at[pl.ds(row0 + last * CHUNK, CHUNK)],
                sem_w[b]).wait()

    return pl.kernel(
        body,
        out_type=jax.ShapeDtypeStruct((pad_rows, H), jnp.float32),
        mesh=plsc.VectorSubcoreMesh(core_axis_name="c", subcore_axis_name="s",
                                    num_cores=NC, num_subcores=NS),
        scratch_types=[
            pltpu.VMEM_SHARED((N_NODES, H), jnp.float32),
            pltpu.VMEM((n_chunks, CHUNK), jnp.int32),
            pltpu.VMEM((NBUF, CHUNK, H), jnp.float32),
            pltpu.SemaphoreType.DMA,
            pltpu.SemaphoreType.DMA,
            pltpu.SemaphoreType.DMA,
            pltpu.SemaphoreType.DMA,
        ],
    )


BE = 6400
OUT_ROWS = BE // H


def _mlp_body(zs_ref, zd_ref, a_ref, b_ref, b1_ref, w2_ref, b2_ref, o_ref):
    zs = zs_ref[...]
    zd = zd_ref[...]
    avg = (zs + zd) * 0.5
    dif = zs - zd
    var = dif * dif
    dn = (((1,), (1,)), ((), ()))
    h1 = lax.dot_general(avg, a_ref[...], dn, preferred_element_type=jnp.float32)
    h1 = h1 + lax.dot_general(var, b_ref[...], dn, preferred_element_type=jnp.float32)
    h1 = jnp.maximum(h1 + b1_ref[...], 0.0)
    logit = jnp.sum(h1 * w2_ref[...], axis=1) + b2_ref[0, 0]
    o_ref[...] = jax.nn.sigmoid(logit).reshape(1, OUT_ROWS, H)


def _tc_mlp(gathered, a, b, b1, w2, b2, nb):
    return pl.pallas_call(
        _mlp_body,
        grid=(nb,),
        in_specs=[
            pl.BlockSpec((BE, H), lambda i: (i, 0)),
            pl.BlockSpec((BE, H), lambda i: (i + nb, 0)),
            pl.BlockSpec((H, H), lambda i: (0, 0)),
            pl.BlockSpec((H, H), lambda i: (0, 0)),
            pl.BlockSpec((1, H), lambda i: (0, 0)),
            pl.BlockSpec((1, H), lambda i: (0, 0)),
            pl.BlockSpec((1, 1), lambda i: (0, 0), memory_space=pltpu.SMEM),
        ],
        out_specs=pl.BlockSpec((1, OUT_ROWS, H), lambda i: (i, 0, 0)),
        out_shape=jax.ShapeDtypeStruct((nb, OUT_ROWS, H), jnp.float32),
    )(gathered, gathered, a, b, b1, w2, b2)


def _cdiv(x, d):
    return -(-x // d)


_sc_gathers = {}
for _eh in set(EHS):
    _nch = 8 * _cdiv(2 * _eh, NW * CHUNK * 8)
    _sc_gathers[_eh] = (_make_sc_gather(_nch), _nch)


def kernel(z, edge_index, W1_w, W1_b, W2_w, W2_b):
    ei = edge_index.astype(jnp.int32)
    a = W1_w[:, :H]
    b = W1_w[:, H:]
    b1 = W1_b.reshape(1, H)
    w2 = W2_w.reshape(1, H)
    b2 = W2_b.reshape(1, 1)
    outs = []
    e0 = 0
    for eh in EHS:
        gather_fn, n_chunks = _sc_gathers[eh]
        pad_rows = n_chunks * CHUNK * NW
        src = lax.slice_in_dim(ei[0], e0, e0 + eh)
        dst = lax.slice_in_dim(ei[1], e0, e0 + eh)
        pad = jnp.zeros((pad_rows - 2 * eh,), jnp.int32)
        idx_all = jnp.concatenate([src, dst, pad], axis=0)
        idx_2d = idx_all.reshape(pad_rows // CHUNK, CHUNK)
        gathered = gather_fn(z, idx_2d)
        outs.append(_tc_mlp(gathered, a, b, b1, w2, b2, eh // BE).reshape(eh))
        e0 += eh
    return jnp.concatenate(outs, axis=0)

# --- scband reference (transcript-rebuilt; emitter-appended) ---
"""Pipeline reference for scband-decoder-44324062494986 (READ-ONLY COPY).

The authoritative reference and input builder live on the scoring server;
editing this copy changes nothing except your own understanding.
"""

import jax, jax.numpy as jnp
import numpy as np

N_NODES = 10000
N_EDGES = 320000
H = 128


def setup_inputs(seed: int = 0) -> dict:
    key = jax.random.key(seed)
    k_z, k_e, k_w1, k_b1, k_w2, k_b2 = jax.random.split(key, 6)
    z = jax.random.normal(k_z, (N_NODES, H), dtype=jnp.float32)
    edge_index = jax.random.randint(k_e, (2, N_EDGES), 0, N_NODES, dtype=jnp.int64)
    # Linear(h_feats*2 -> h_feats): weight [H, 2H], bias [H] (torch convention)
    W1_w = jax.random.normal(k_w1, (H, 2 * H), dtype=jnp.float32) * 0.05
    W1_b = jax.random.normal(k_b1, (H,), dtype=jnp.float32) * 0.05
    # Linear(h_feats -> 1): weight [1, H], bias [1]
    W2_w = jax.random.normal(k_w2, (1, H), dtype=jnp.float32) * 0.05
    W2_b = jax.random.normal(k_b2, (1,), dtype=jnp.float32) * 0.05
    return {"z": z, "edge_index": edge_index, "W1_w": W1_w, "W1_b": W1_b, "W2_w": W2_w, "W2_b": W2_b}


def reference(z, edge_index, W1_w, W1_b, W2_w, W2_b):
    src = edge_index[0]
    dst = edge_index[1]
    zs = jnp.take(z, src, axis=0)
    zd = jnp.take(z, dst, axis=0)
    avg = (zs + zd) / 2.0
    var = (zs - zd) ** 2
    h = jnp.concatenate([avg, var], axis=1)
    h1 = jax.nn.relu(h @ W1_w.T + W1_b)
    out = jax.nn.sigmoid(h1 @ W2_w.T + W2_b)
    return jnp.squeeze(out, axis=1)

if __name__ == "__main__":
    import jax
    _d = setup_inputs()
    print(jax.jit(kernel)(*tuple(_d.values())))

</pallas_src>

<mosaic_0001>
#map = affine_map<(d0, d1) -> (0, 0)>
module attributes {stable_mosaic.version = 14 : i64} {
  func.func @body(%arg0: i32, %arg1: i32, %arg2: memref<10000x128xf32, #tpu.memory_space<hbm>>, %arg3: memref<1536x128xi32, #tpu.memory_space<hbm>>, %arg4: memref<196608x128xf32, #tpu.memory_space<hbm>>, %arg5: memref<10000x128xf32, #tpu.memory_space<vmem_shared>>, %arg6: memref<48x128xi32, #tpu.memory_space<vmem>>, %arg7: memref<2x128x128xf32, #tpu.memory_space<vmem>>, %arg8: memref<!tpu.dma_semaphore, #tpu.memory_space<semaphore_mem>>, %arg9: memref<!tpu.dma_semaphore, #tpu.memory_space<semaphore_mem>>, %arg10: memref<!tpu.dma_semaphore, #tpu.memory_space<semaphore_mem>>, %arg11: memref<!tpu.dma_semaphore, #tpu.memory_space<semaphore_mem>>) attributes {dimension_semantics = [#tpu.dimension_semantics<core_parallel>, #tpu.dimension_semantics<subcore_parallel>], iteration_bounds = array<i64: 2, 16>, scalar_prefetch = 0 : i64, scratch_operands = 7 : i64, tpu.core_type = #tpu.core_type<sc_vector_subcore>, window_params = [{transform_indices = #map}, {transform_indices = #map}, {transform_indices = #map}]} {
    %mul3A = arith.constant 2 : i32
    %mul3A_0 = arith.muli %arg1, %mul3A : i32
    %add3A = arith.addi %mul3A_0, %arg0 : i32
    %mul3A_1 = arith.constant 6144 : i32
    %mul3A_2 = arith.muli %add3A, %mul3A_1 : i32
    %eq3A = arith.constant 0 : i32
    %eq3A_3 = arith.cmpi eq, %arg1, %eq3A : i32
    %convert_element_type3A = arith.extui %eq3A_3 : i1 to i32
    %cond3A = arith.constant 0 : i32
    %cond3A_4 = arith.cmpi ne, %convert_element_type3A, %cond3A : i32
    scf.if %cond3A_4 {
      "tpu.region"() ({
        %run_scoped3A = tpu.sem_alloc : memref<!tpu.dma_semaphore, #tpu.memory_space<semaphore_mem>>
        tpu.enqueue_dma source(%arg2 : memref<10000x128xf32, #tpu.memory_space<hbm>>) target(%arg5 : memref<10000x128xf32, #tpu.memory_space<vmem_shared>>) target_semaphore(%run_scoped3A : memref<!tpu.dma_semaphore, #tpu.memory_space<semaphore_mem>>)
        tpu.wait_dma2 semaphore(%run_scoped3A : memref<!tpu.dma_semaphore, #tpu.memory_space<semaphore_mem>>) src(%arg2 : memref<10000x128xf32, #tpu.memory_space<hbm>>) dst(%arg5 : memref<10000x128xf32, #tpu.memory_space<vmem_shared>>)
        tpu.yield
      }) : () -> ()
    } else {
    }
    %mul3A_5 = arith.constant 48 : i32
    %mul3A_6 = arith.muli %add3A, %mul3A_5 : i32
    "tpu.region"() ({
      %run_scoped3A = tpu.sem_alloc : memref<!tpu.dma_semaphore, #tpu.memory_space<semaphore_mem>>
      %dma_start3A = arith.constant 0 : i32
      %dma_start3A_40 = tpu.memref_slice %arg3[%mul3A_6, %dma_start3A] : memref<1536x128xi32, #tpu.memory_space<hbm>> -> memref<48x128xi32, #tpu.memory_space<hbm>>
      %dma_start3A_41 = arith.constant 0 : i32
      %dma_start3A_42 = tpu.memref_slice %arg3[%mul3A_6, %dma_start3A_41] : memref<1536x128xi32, #tpu.memory_space<hbm>> -> memref<48x128xi32, #tpu.memory_space<hbm>>
      tpu.enqueue_dma source(%dma_start3A_42 : memref<48x128xi32, #tpu.memory_space<hbm>>) target(%arg6 : memref<48x128xi32, #tpu.memory_space<vmem>>) target_semaphore(%run_scoped3A : memref<!tpu.dma_semaphore, #tpu.memory_space<semaphore_mem>>)
      %dma_wait3A_43 = arith.constant 0 : i32
      %dma_wait3A_44 = tpu.memref_slice %arg3[%mul3A_6, %dma_wait3A_43] : memref<1536x128xi32, #tpu.memory_space<hbm>> -> memref<48x128xi32, #tpu.memory_space<hbm>>
      %dma_wait3A_45 = arith.constant 0 : i32
      %dma_wait3A_46 = tpu.memref_slice %arg3[%mul3A_6, %dma_wait3A_45] : memref<1536x128xi32, #tpu.memory_space<hbm>> -> memref<48x128xi32, #tpu.memory_space<hbm>>
      tpu.wait_dma2 semaphore(%run_scoped3A : memref<!tpu.dma_semaphore, #tpu.memory_space<semaphore_mem>>) src(%dma_wait3A_46 : memref<48x128xi32, #tpu.memory_space<hbm>>) dst(%arg6 : memref<48x128xi32, #tpu.memory_space<vmem>>)
      tpu.yield
    }) : () -> ()
    %barrier3A = arith.constant 0 : index
    tpu.barrier barrier_id(%barrier3A)
    %scan3A = arith.constant 0 : i32
    %scan3A_7 = arith.constant 24 : i32
    %scan3A_8 = arith.addi %scan3A, %scan3A_7 : i32
    %scan3A_9 = arith.constant 1 : i32
    scf.for %scan3A_40 = %scan3A to %scan3A_8 step %scan3A_9  : i32 {
      %mul3A_41 = arith.constant 2 : i32
      %mul3A_42 = arith.muli %scan3A_40, %mul3A_41 : i32
      %add3A_43 = arith.constant 0 : i32
      %add3A_44 = arith.addi %add3A_43, %mul3A_42 : i32
      %add3A_45 = arith.constant 0 : i32
      %add3A_46 = arith.addi %add3A_44, %add3A_45 : i32
      %ge3A = arith.constant 2 : i32
      %ge3A_47 = arith.cmpi sge, %add3A_46, %ge3A : i32
      %convert_element_type3A_48 = arith.extui %ge3A_47 : i1 to i32
      %cond3A_49 = arith.constant 0 : i32
      %cond3A_50 = arith.cmpi ne, %convert_element_type3A_48, %cond3A_49 : i32
      scf.if %cond3A_50 {
        %sub3A = arith.constant 2 : i32
        %sub3A_141 = arith.subi %add3A_46, %sub3A : i32
        %mul3A_142 = arith.constant 128 : i32
        %mul3A_143 = arith.muli %sub3A_141, %mul3A_142 : i32
        %add3A_144 = arith.addi %mul3A_2, %mul3A_143 : i32
        %dma_wait3A_145 = arith.constant 0 : i32
        %dma_wait3A_146 = arith.constant 0 : i32
        %dma_wait3A_147 = arith.constant 0 : i32
        %dma_wait3A_148 = tpu.memref_slice %arg7[%dma_wait3A_145, %dma_wait3A_146, %dma_wait3A_147] : memref<2x128x128xf32, #tpu.memory_space<vmem>> -> memref<1x128x128xf32, #tpu.memory_space<vmem>>
        %dma_wait3A_149 = tpu.memref_squeeze %dma_wait3A_148 : memref<1x128x128xf32, #tpu.memory_space<vmem>> -> memref<128x128xf32, #tpu.memory_space<vmem>>
        %dma_wait3A_150 = arith.constant 0 : i32
        %dma_wait3A_151 = tpu.memref_slice %arg4[%add3A_144, %dma_wait3A_150] : memref<196608x128xf32, #tpu.memory_space<hbm>> -> memref<128x128xf32, #tpu.memory_space<hbm>>
        %dma_wait3A_152 = arith.constant 0 : i32
        %dma_wait3A_153 = tpu.memref_slice %arg4[%add3A_144, %dma_wait3A_152] : memref<196608x128xf32, #tpu.memory_space<hbm>> -> memref<128x128xf32, #tpu.memory_space<hbm>>
        %dma_wait3A_154 = arith.constant 0 : i32
        %dma_wait3A_155 = arith.constant 0 : i32
        %dma_wait3A_156 = tpu.memref_slice %arg7[%dma_wait3A_145, %dma_wait3A_154, %dma_wait3A_155] : memref<2x128x128xf32, #tpu.memory_space<vmem>> -> memref<1x128x128xf32, #tpu.memory_space<vmem>>
        %dma_wait3A_157 = tpu.memref_squeeze %dma_wait3A_156 : memref<1x128x128xf32, #tpu.memory_space<vmem>> -> memref<128x128xf32, #tpu.memory_space<vmem>>
        tpu.wait_dma2 semaphore(%arg10 : memref<!tpu.dma_semaphore, #tpu.memory_space<semaphore_mem>>) src(%dma_wait3A_157 : memref<128x128xf32, #tpu.memory_space<vmem>>) dst(%dma_wait3A_153 : memref<128x128xf32, #tpu.memory_space<hbm>>)
      } else {
      }
      %dma_start3A = arith.constant 0 : i32
      %dma_start3A_51 = arith.constant 0 : i32
      %dma_start3A_52 = arith.constant 0 : i32
      %dma_start3A_53 = tpu.memref_slice %arg7[%dma_start3A, %dma_start3A_51, %dma_start3A_52] : memref<2x128x128xf32, #tpu.memory_space<vmem>> -> memref<1x128x128xf32, #tpu.memory_space<vmem>>
      %dma_start3A_54 = tpu.memref_squeeze %dma_start3A_53 : memref<1x128x128xf32, #tpu.memory_space<vmem>> -> memref<128x128xf32, #tpu.memory_space<vmem>>
      %dma_start3A_55 = arith.constant 0 : i32
      %dma_start3A_56 = tpu.memref_slice %arg6[%add3A_46, %dma_start3A_55] : memref<48x128xi32, #tpu.memory_space<vmem>> -> memref<1x128xi32, #tpu.memory_space<vmem>>
      %dma_start3A_57 = tpu.memref_squeeze %dma_start3A_56 : memref<1x128xi32, #tpu.memory_space<vmem>> -> memref<128xi32, #tpu.memory_space<vmem>>
      %dma_start3A_58 = arith.constant 0 : i32
      %dma_start3A_59 = arith.constant 0 : i32
      %dma_start3A_60 = tpu.memref_slice %arg5[%dma_start3A_58, %dma_start3A_59] : memref<10000x128xf32, #tpu.memory_space<vmem_shared>> -> memref<10000x128xf32, #tpu.memory_space<vmem_shared>>
      tpu.enqueue_indirect_dma source(%dma_start3A_60 : memref<10000x128xf32, #tpu.memory_space<vmem_shared>>) target(%dma_start3A_54 : memref<128x128xf32, #tpu.memory_space<vmem>>) offsets(%dma_start3A_57 : memref<128xi32, #tpu.memory_space<vmem>>) semaphore(%arg8 : memref<!tpu.dma_semaphore, #tpu.memory_space<semaphore_mem>>)
      %dma_wait3A_61 = arith.constant 0 : i32
      %dma_wait3A_62 = arith.constant 0 : i32
      %dma_wait3A_63 = arith.constant 0 : i32
      %dma_wait3A_64 = tpu.memref_slice %arg7[%dma_wait3A_61, %dma_wait3A_62, %dma_wait3A_63] : memref<2x128x128xf32, #tpu.memory_space<vmem>> -> memref<1x128x128xf32, #tpu.memory_space<vmem>>
      %dma_wait3A_65 = tpu.memref_squeeze %dma_wait3A_64 : memref<1x128x128xf32, #tpu.memory_space<vmem>> -> memref<128x128xf32, #tpu.memory_space<vmem>>
      %dma_wait3A_66 = arith.constant 0 : i32
      %dma_wait3A_67 = arith.constant 0 : i32
      %dma_wait3A_68 = tpu.memref_slice %arg2[%dma_wait3A_66, %dma_wait3A_67] : memref<10000x128xf32, #tpu.memory_space<hbm>> -> memref<128x128xf32, #tpu.memory_space<hbm>>
      %dma_wait3A_69 = arith.constant 0 : i32
      %dma_wait3A_70 = arith.constant 0 : i32
      %dma_wait3A_71 = tpu.memref_slice %arg7[%dma_wait3A_61, %dma_wait3A_69, %dma_wait3A_70] : memref<2x128x128xf32, #tpu.memory_space<vmem>> -> memref<1x128x128xf32, #tpu.memory_space<vmem>>
      %dma_wait3A_72 = tpu.memref_squeeze %dma_wait3A_71 : memref<1x128x128xf32, #tpu.memory_space<vmem>> -> memref<128x128xf32, #tpu.memory_space<vmem>>
      %dma_wait3A_73 = arith.constant 0 : i32
      %dma_wait3A_74 = arith.constant 0 : i32
      %dma_wait3A_75 = tpu.memref_slice %arg2[%dma_wait3A_73, %dma_wait3A_74] : memref<10000x128xf32, #tpu.memory_space<hbm>> -> memref<128x128xf32, #tpu.memory_space<hbm>>
      tpu.wait_dma2 semaphore(%arg8 : memref<!tpu.dma_semaphore, #tpu.memory_space<semaphore_mem>>) src(%dma_wait3A_75 : memref<128x128xf32, #tpu.memory_space<hbm>>) dst(%dma_wait3A_72 : memref<128x128xf32, #tpu.memory_space<vmem>>)
      %mul3A_76 = arith.constant 128 : i32
      %mul3A_77 = arith.muli %add3A_46, %mul3A_76 : i32
      %add3A_78 = arith.addi %mul3A_2, %mul3A_77 : i32
      %dma_start3A_79 = arith.constant 0 : i32
      %dma_start3A_80 = arith.constant 0 : i32
      %dma_start3A_81 = arith.constant 0 : i32
      %dma_start3A_82 = tpu.memref_slice %arg7[%dma_start3A_79, %dma_start3A_80, %dma_start3A_81] : memref<2x128x128xf32, #tpu.memory_space<vmem>> -> memref<1x128x128xf32, #tpu.memory_space<vmem>>
      %dma_start3A_83 = tpu.memref_squeeze %dma_start3A_82 : memref<1x128x128xf32, #tpu.memory_space<vmem>> -> memref<128x128xf32, #tpu.memory_space<vmem>>
      %dma_start3A_84 = arith.constant 0 : i32
      %dma_start3A_85 = tpu.memref_slice %arg4[%add3A_78, %dma_start3A_84] : memref<196608x128xf32, #tpu.memory_space<hbm>> -> memref<128x128xf32, #tpu.memory_space<hbm>>
      %dma_start3A_86 = arith.constant 0 : i32
      %dma_start3A_87 = tpu.memref_slice %arg4[%add3A_78, %dma_start3A_86] : memref<196608x128xf32, #tpu.memory_space<hbm>> -> memref<128x128xf32, #tpu.memory_space<hbm>>
      %dma_start3A_88 = arith.constant 0 : i32
      %dma_start3A_89 = arith.constant 0 : i32
      %dma_start3A_90 = tpu.memref_slice %arg7[%dma_start3A_79, %dma_start3A_88, %dma_start3A_89] : memref<2x128x128xf32, #tpu.memory_space<vmem>> -> memref<1x128x128xf32, #tpu.memory_space<vmem>>
      %dma_start3A_91 = tpu.memref_squeeze %dma_start3A_90 : memref<1x128x128xf32, #tpu.memory_space<vmem>> -> memref<128x128xf32, #tpu.memory_space<vmem>>
      tpu.enqueue_dma source(%dma_start3A_91 : memref<128x128xf32, #tpu.memory_space<vmem>>) target(%dma_start3A_87 : memref<128x128xf32, #tpu.memory_space<hbm>>) target_semaphore(%arg10 : memref<!tpu.dma_semaphore, #tpu.memory_space<semaphore_mem>>)
      %add3A_92 = arith.constant 1 : i32
      %add3A_93 = arith.addi %add3A_44, %add3A_92 : i32
      %ge3A_94 = arith.constant 2 : i32
      %ge3A_95 = arith.cmpi sge, %add3A_93, %ge3A_94 : i32
      %convert_element_type3A_96 = arith.extui %ge3A_95 : i1 to i32
      %cond3A_97 = arith.constant 0 : i32
      %cond3A_98 = arith.cmpi ne, %convert_element_type3A_96, %cond3A_97 : i32
      scf.if %cond3A_98 {
        %sub3A = arith.constant 2 : i32
        %sub3A_141 = arith.subi %add3A_93, %sub3A : i32
        %mul3A_142 = arith.constant 128 : i32
        %mul3A_143 = arith.muli %sub3A_141, %mul3A_142 : i32
        %add3A_144 = arith.addi %mul3A_2, %mul3A_143 : i32
        %dma_wait3A_145 = arith.constant 1 : i32
        %dma_wait3A_146 = arith.constant 0 : i32
        %dma_wait3A_147 = arith.constant 0 : i32
        %dma_wait3A_148 = tpu.memref_slice %arg7[%dma_wait3A_145, %dma_wait3A_146, %dma_wait3A_147] : memref<2x128x128xf32, #tpu.memory_space<vmem>> -> memref<1x128x128xf32, #tpu.memory_space<vmem>>
        %dma_wait3A_149 = tpu.memref_squeeze %dma_wait3A_148 : memref<1x128x128xf32, #tpu.memory_space<vmem>> -> memref<128x128xf32, #tpu.memory_space<vmem>>
        %dma_wait3A_150 = arith.constant 0 : i32
        %dma_wait3A_151 = tpu.memref_slice %arg4[%add3A_144, %dma_wait3A_150] : memref<196608x128xf32, #tpu.memory_space<hbm>> -> memref<128x128xf32, #tpu.memory_space<hbm>>
        %dma_wait3A_152 = arith.constant 0 : i32
        %dma_wait3A_153 = tpu.memref_slice %arg4[%add3A_144, %dma_wait3A_152] : memref<196608x128xf32, #tpu.memory_space<hbm>> -> memref<128x128xf32, #tpu.memory_space<hbm>>
        %dma_wait3A_154 = arith.constant 0 : i32
        %dma_wait3A_155 = arith.constant 0 : i32
        %dma_wait3A_156 = tpu.memref_slice %arg7[%dma_wait3A_145, %dma_wait3A_154, %dma_wait3A_155] : memref<2x128x128xf32, #tpu.memory_space<vmem>> -> memref<1x128x128xf32, #tpu.memory_space<vmem>>
        %dma_wait3A_157 = tpu.memref_squeeze %dma_wait3A_156 : memref<1x128x128xf32, #tpu.memory_space<vmem>> -> memref<128x128xf32, #tpu.memory_space<vmem>>
        tpu.wait_dma2 semaphore(%arg11 : memref<!tpu.dma_semaphore, #tpu.memory_space<semaphore_mem>>) src(%dma_wait3A_157 : memref<128x128xf32, #tpu.memory_space<vmem>>) dst(%dma_wait3A_153 : memref<128x128xf32, #tpu.memory_space<hbm>>)
      } else {
      }
      %dma_start3A_99 = arith.constant 1 : i32
      %dma_start3A_100 = arith.constant 0 : i32
      %dma_start3A_101 = arith.constant 0 : i32
      %dma_start3A_102 = tpu.memref_slice %arg7[%dma_start3A_99, %dma_start3A_100, %dma_start3A_101] : memref<2x128x128xf32, #tpu.memory_space<vmem>> -> memref<1x128x128xf32, #tpu.memory_space<vmem>>
      %dma_start3A_103 = tpu.memref_squeeze %dma_start3A_102 : memref<1x128x128xf32, #tpu.memory_space<vmem>> -> memref<128x128xf32, #tpu.memory_space<vmem>>
      %dma_start3A_104 = arith.constant 0 : i32
      %dma_start3A_105 = tpu.memref_slice %arg6[%add3A_93, %dma_start3A_104] : memref<48x128xi32, #tpu.memory_space<vmem>> -> memref<1x128xi32, #tpu.memory_space<vmem>>
      %dma_start3A_106 = tpu.memref_squeeze %dma_start3A_105 : memref<1x128xi32, #tpu.memory_space<vmem>> -> memref<128xi32, #tpu.memory_space<vmem>>
      %dma_start3A_107 = arith.constant 0 : i32
      %dma_start3A_108 = arith.constant 0 : i32
      %dma_start3A_109 = tpu.memref_slice %arg5[%dma_start3A_107, %dma_start3A_108] : memref<10000x128xf32, #tpu.memory_space<vmem_shared>> -> memref<10000x128xf32, #tpu.memory_space<vmem_shared>>
      tpu.enqueue_indirect_dma source(%dma_start3A_109 : memref<10000x128xf32, #tpu.memory_space<vmem_shared>>) target(%dma_start3A_103 : memref<128x128xf32, #tpu.memory_space<vmem>>) offsets(%dma_start3A_106 : memref<128xi32, #tpu.memory_space<vmem>>) semaphore(%arg9 : memref<!tpu.dma_semaphore, #tpu.memory_space<semaphore_mem>>)
      %dma_wait3A_110 = arith.constant 1 : i32
      %dma_wait3A_111 = arith.constant 0 : i32
      %dma_wait3A_112 = arith.constant 0 : i32
      %dma_wait3A_113 = tpu.memref_slice %arg7[%dma_wait3A_110, %dma_wait3A_111, %dma_wait3A_112] : memref<2x128x128xf32, #tpu.memory_space<vmem>> -> memref<1x128x128xf32, #tpu.memory_space<vmem>>
      %dma_wait3A_114 = tpu.memref_squeeze %dma_wait3A_113 : memref<1x128x128xf32, #tpu.memory_space<vmem>> -> memref<128x128xf32, #tpu.memory_space<vmem>>
      %dma_wait3A_115 = arith.constant 0 : i32
      %dma_wait3A_116 = arith.constant 0 : i32
      %dma_wait3A_117 = tpu.memref_slice %arg2[%dma_wait3A_115, %dma_wait3A_116] : memref<10000x128xf32, #tpu.memory_space<hbm>> -> memref<128x128xf32, #tpu.memory_space<hbm>>
      %dma_wait3A_118 = arith.constant 0 : i32
      %dma_wait3A_119 = arith.constant 0 : i32
      %dma_wait3A_120 = tpu.memref_slice %arg7[%dma_wait3A_110, %dma_wait3A_118, %dma_wait3A_119] : memref<2x128x128xf32, #tpu.memory_space<vmem>> -> memref<1x128x128xf32, #tpu.memory_space<vmem>>
      %dma_wait3A_121 = tpu.memref_squeeze %dma_wait3A_120 : memref<1x128x128xf32, #tpu.memory_space<vmem>> -> memref<128x128xf32, #tpu.memory_space<vmem>>
      %dma_wait3A_122 = arith.constant 0 : i32
      %dma_wait3A_123 = arith.constant 0 : i32
      %dma_wait3A_124 = tpu.memref_slice %arg2[%dma_wait3A_122, %dma_wait3A_123] : memref<10000x128xf32, #tpu.memory_space<hbm>> -> memref<128x128xf32, #tpu.memory_space<hbm>>
      tpu.wait_dma2 semaphore(%arg9 : memref<!tpu.dma_semaphore, #tpu.memory_space<semaphore_mem>>) src(%dma_wait3A_124 : memref<128x128xf32, #tpu.memory_space<hbm>>) dst(%dma_wait3A_121 : memref<128x128xf32, #tpu.memory_space<vmem>>)
      %mul3A_125 = arith.constant 128 : i32
      %mul3A_126 = arith.muli %add3A_93, %mul3A_125 : i32
      %add3A_127 = arith.addi %mul3A_2, %mul3A_126 : i32
      %dma_start3A_128 = arith.constant 1 : i32
      %dma_start3A_129 = arith.constant 0 : i32
      %dma_start3A_130 = arith.constant 0 : i32
      %dma_start3A_131 = tpu.memref_slice %arg7[%dma_start3A_128, %dma_start3A_129, %dma_start3A_130] : memref<2x128x128xf32, #tpu.memory_space<vmem>> -> memref<1x128x128xf32, #tpu.memory_space<vmem>>
      %dma_start3A_132 = tpu.memref_squeeze %dma_start3A_131 : memref<1x128x128xf32, #tpu.memory_space<vmem>> -> memref<128x128xf32, #tpu.memory_space<vmem>>
      %dma_start3A_133 = arith.constant 0 : i32
      %dma_start3A_134 = tpu.memref_slice %arg4[%add3A_127, %dma_start3A_133] : memref<196608x128xf32, #tpu.memory_space<hbm>> -> memref<128x128xf32, #tpu.memory_space<hbm>>
      %dma_start3A_135 = arith.constant 0 : i32
      %dma_start3A_136 = tpu.memref_slice %arg4[%add3A_127, %dma_start3A_135] : memref<196608x128xf32, #tpu.memory_space<hbm>> -> memref<128x128xf32, #tpu.memory_space<hbm>>
      %dma_start3A_137 = arith.constant 0 : i32
      %dma_start3A_138 = arith.constant 0 : i32
      %dma_start3A_139 = tpu.memref_slice %arg7[%dma_start3A_128, %dma_start3A_137, %dma_start3A_138] : memref<2x128x128xf32, #tpu.memory_space<vmem>> -> memref<1x128x128xf32, #tpu.memory_space<vmem>>
      %dma_start3A_140 = tpu.memref_squeeze %dma_start3A_139 : memref<1x128x128xf32, #tpu.memory_space<vmem>> -> memref<128x128xf32, #tpu.memory_space<vmem>>
      tpu.enqueue_dma source(%dma_start3A_140 : memref<128x128xf32, #tpu.memory_space<vmem>>) target(%dma_start3A_136 : memref<128x128xf32, #tpu.memory_space<hbm>>) target_semaphore(%arg11 : memref<!tpu.dma_semaphore, #tpu.memory_space<semaphore_mem>>)
    }
    %scan3A_10 = arith.constant 24 : i32
    %add3A_11 = arith.constant 5888 : i32
    %add3A_12 = arith.addi %mul3A_2, %add3A_11 : i32
    %dma_wait3A = arith.constant 0 : i32
    %dma_wait3A_13 = arith.constant 0 : i32
    %dma_wait3A_14 = arith.constant 0 : i32
    %dma_wait3A_15 = tpu.memref_slice %arg7[%dma_wait3A, %dma_wait3A_13, %dma_wait3A_14] : memref<2x128x128xf32, #tpu.memory_space<vmem>> -> memref<1x128x128xf32, #tpu.memory_space<vmem>>
    %dma_wait3A_16 = tpu.memref_squeeze %dma_wait3A_15 : memref<1x128x128xf32, #tpu.memory_space<vmem>> -> memref<128x128xf32, #tpu.memory_space<vmem>>
    %dma_wait3A_17 = arith.constant 0 : i32
    %dma_wait3A_18 = tpu.memref_slice %arg4[%add3A_12, %dma_wait3A_17] : memref<196608x128xf32, #tpu.memory_space<hbm>> -> memref<128x128xf32, #tpu.memory_space<hbm>>
    %dma_wait3A_19 = arith.constant 0 : i32
    %dma_wait3A_20 = tpu.memref_slice %arg4[%add3A_12, %dma_wait3A_19] : memref<196608x128xf32, #tpu.memory_space<hbm>> -> memref<128x128xf32, #tpu.memory_space<hbm>>
    %dma_wait3A_21 = arith.constant 0 : i32
    %dma_wait3A_22 = arith.constant 0 : i32
    %dma_wait3A_23 = tpu.memref_slice %arg7[%dma_wait3A, %dma_wait3A_21, %dma_wait3A_22] : memref<2x128x128xf32, #tpu.memory_space<vmem>> -> memref<1x128x128xf32, #tpu.memory_space<vmem>>
    %dma_wait3A_24 = tpu.memref_squeeze %dma_wait3A_23 : memref<1x128x128xf32, #tpu.memory_space<vmem>> -> memref<128x128xf32, #tpu.memory_space<vmem>>
    tpu.wait_dma2 semaphore(%arg10 : memref<!tpu.dma_semaphore, #tpu.memory_space<semaphore_mem>>) src(%dma_wait3A_24 : memref<128x128xf32, #tpu.memory_space<vmem>>) dst(%dma_wait3A_20 : memref<128x128xf32, #tpu.memory_space<hbm>>)
    %add3A_25 = arith.constant 6016 : i32
    %add3A_26 = arith.addi %mul3A_2, %add3A_25 : i32
    %dma_wait3A_27 = arith.constant 1 : i32
    %dma_wait3A_28 = arith.constant 0 : i32
    %dma_wait3A_29 = arith.constant 0 : i32
    %dma_wait3A_30 = tpu.memref_slice %arg7[%dma_wait3A_27, %dma_wait3A_28, %dma_wait3A_29] : memref<2x128x128xf32, #tpu.memory_space<vmem>> -> memref<1x128x128xf32, #tpu.memory_space<vmem>>
    %dma_wait3A_31 = tpu.memref_squeeze %dma_wait3A_30 : memref<1x128x128xf32, #tpu.memory_space<vmem>> -> memref<128x128xf32, #tpu.memory_space<vmem>>
    %dma_wait3A_32 = arith.constant 0 : i32
    %dma_wait3A_33 = tpu.memref_slice %arg4[%add3A_26, %dma_wait3A_32] : memref<196608x128xf32, #tpu.memory_space<hbm>> -> memref<128x128xf32, #tpu.memory_space<hbm>>
    %dma_wait3A_34 = arith.constant 0 : i32
    %dma_wait3A_35 = tpu.memref_slice %arg4[%add3A_26, %dma_wait3A_34] : memref<196608x128xf32, #tpu.memory_space<hbm>> -> memref<128x128xf32, #tpu.memory_space<hbm>>
    %dma_wait3A_36 = arith.constant 0 : i32
    %dma_wait3A_37 = arith.constant 0 : i32
    %dma_wait3A_38 = tpu.memref_slice %arg7[%dma_wait3A_27, %dma_wait3A_36, %dma_wait3A_37] : memref<2x128x128xf32, #tpu.memory_space<vmem>> -> memref<1x128x128xf32, #tpu.memory_space<vmem>>
    %dma_wait3A_39 = tpu.memref_squeeze %dma_wait3A_38 : memref<1x128x128xf32, #tpu.memory_space<vmem>> -> memref<128x128xf32, #tpu.memory_space<vmem>>
    tpu.wait_dma2 semaphore(%arg11 : memref<!tpu.dma_semaphore, #tpu.memory_space<semaphore_mem>>) src(%dma_wait3A_39 : memref<128x128xf32, #tpu.memory_space<vmem>>) dst(%dma_wait3A_35 : memref<128x128xf32, #tpu.memory_space<hbm>>)
    return
  }
}

#map = affine_map<(d0, d1) -> (0, 0)>
module attributes {stable_mosaic.version = 14 : i64} {
  func.func @body(%arg0: i32, %arg1: i32, %arg2: memref<10000x128xf32, #tpu.memory_space<hbm>>, %arg3: memref<1536x128xi32, #tpu.memory_space<hbm>>, %arg4: memref<196608x128xf32, #tpu.memory_space<hbm>>, %arg5: memref<10000x128xf32, #tpu.memory_space<vmem_shared>>, %arg6: memref<48x128xi32, #tpu.memory_space<vmem>>, %arg7: memref<2x128x128xf32, #tpu.memory_space<vmem>>, %arg8: memref<!tpu.dma_semaphore, #tpu.memory_space<semaphore_mem>>, %arg9: memref<!tpu.dma_semaphore, #tpu.memory_space<semaphore_mem>>, %arg10: memref<!tpu.dma_semaphore, #tpu.memory_space<semaphore_mem>>, %arg11: memref<!tpu.dma_semaphore, #tpu.memory_space<semaphore_mem>>) attributes {dimension_semantics = [#tpu.dimension_semantics<core_parallel>, #tpu.dimension_semantics<subcore_parallel>], iteration_bounds = array<i64: 2, 16>, scalar_prefetch = 0 : i64, scratch_operands = 7 : i64, tpu.core_type = #tpu.core_type<sc_vector_subcore>, window_params = [{transform_indices = #map}, {transform_indices = #map}, {transform_indices = #map}]} {
    %mul3A = arith.constant 2 : i32
    %mul3A_0 = arith.muli %arg1, %mul3A : i32
    %add3A = arith.addi %mul3A_0, %arg0 : i32
    %mul3A_1 = arith.constant 6144 : i32
    %mul3A_2 = arith.muli %add3A, %mul3A_1 : i32
    %eq3A = arith.constant 0 : i32
    %eq3A_3 = arith.cmpi eq, %arg1, %eq3A : i32
    %convert_element_type3A = arith.extui %eq3A_3 : i1 to i32
    %cond3A = arith.constant 0 : i32
    %cond3A_4 = arith.cmpi ne, %convert_element_type3A, %cond3A : i32
    scf.if %cond3A_4 {
      "tpu.region"() ({
        %run_scoped3A = tpu.sem_alloc : memref<!tpu.dma_semaphore, #tpu.memory_space<semaphore_mem>>
        tpu.enqueue_dma source(%arg2 : memref<10000x128xf32, #tpu.memory_space<hbm>>) target(%arg5 : memref<10000x128xf32, #tpu.memory_space<vmem_shared>>) target_semaphore(%run_scoped3A : memref<!tpu.dma_semaphore, #tpu.memory_space<semaphore_mem>>)
        tpu.wait_dma2 semaphore(%run_scoped3A : memref<!tpu.dma_semaphore, #tpu.memory_space<semaphore_mem>>) src(%arg2 : memref<10000x128xf32, #tpu.memory_space<hbm>>) dst(%arg5 : memref<10000x128xf32, #tpu.memory_space<vmem_shared>>)
        tpu.yield
      }) : () -> ()
    } else {
    }
    %mul3A_5 = arith.constant 48 : i32
    %mul3A_6 = arith.muli %add3A, %mul3A_5 : i32
    "tpu.region"() ({
      %run_scoped3A = tpu.sem_alloc : memref<!tpu.dma_semaphore, #tpu.memory_space<semaphore_mem>>
      %dma_start3A = arith.constant 0 : i32
      %dma_start3A_40 = tpu.memref_slice %arg3[%mul3A_6, %dma_start3A] : memref<1536x128xi32, #tpu.memory_space<hbm>> -> memref<48x128xi32, #tpu.memory_space<hbm>>
      %dma_start3A_41 = arith.constant 0 : i32
      %dma_start3A_42 = tpu.memref_slice %arg3[%mul3A_6, %dma_start3A_41] : memref<1536x128xi32, #tpu.memory_space<hbm>> -> memref<48x128xi32, #tpu.memory_space<hbm>>
      tpu.enqueue_dma source(%dma_start3A_42 : memref<48x128xi32, #tpu.memory_space<hbm>>) target(%arg6 : memref<48x128xi32, #tpu.memory_space<vmem>>) target_semaphore(%run_scoped3A : memref<!tpu.dma_semaphore, #tpu.memory_space<semaphore_mem>>)
      %dma_wait3A_43 = arith.constant 0 : i32
      %dma_wait3A_44 = tpu.memref_slice %arg3[%mul3A_6, %dma_wait3A_43] : memref<1536x128xi32, #tpu.memory_space<hbm>> -> memref<48x128xi32, #tpu.memory_space<hbm>>
      %dma_wait3A_45 = arith.constant 0 : i32
      %dma_wait3A_46 = tpu.memref_slice %arg3[%mul3A_6, %dma_wait3A_45] : memref<1536x128xi32, #tpu.memory_space<hbm>> -> memref<48x128xi32, #tpu.memory_space<hbm>>
      tpu.wait_dma2 semaphore(%run_scoped3A : memref<!tpu.dma_semaphore, #tpu.memory_space<semaphore_mem>>) src(%dma_wait3A_46 : memref<48x128xi32, #tpu.memory_space<hbm>>) dst(%arg6 : memref<48x128xi32, #tpu.memory_space<vmem>>)
      tpu.yield
    }) : () -> ()
    %barrier3A = arith.constant 0 : index
    tpu.barrier barrier_id(%barrier3A)
    %scan3A = arith.constant 0 : i32
    %scan3A_7 = arith.constant 24 : i32
    %scan3A_8 = arith.addi %scan3A, %scan3A_7 : i32
    %scan3A_9 = arith.constant 1 : i32
    scf.for %scan3A_40 = %scan3A to %scan3A_8 step %scan3A_9  : i32 {
      %mul3A_41 = arith.constant 2 : i32
      %mul3A_42 = arith.muli %scan3A_40, %mul3A_41 : i32
      %add3A_43 = arith.constant 0 : i32
      %add3A_44 = arith.addi %add3A_43, %mul3A_42 : i32
      %add3A_45 = arith.constant 0 : i32
      %add3A_46 = arith.addi %add3A_44, %add3A_45 : i32
      %ge3A = arith.constant 2 : i32
      %ge3A_47 = arith.cmpi sge, %add3A_46, %ge3A : i32
      %convert_element_type3A_48 = arith.extui %ge3A_47 : i1 to i32
      %cond3A_49 = arith.constant 0 : i32
      %cond3A_50 = arith.cmpi ne, %convert_element_type3A_48, %cond3A_49 : i32
      scf.if %cond3A_50 {
        %sub3A = arith.constant 2 : i32
        %sub3A_141 = arith.subi %add3A_46, %sub3A : i32
        %mul3A_142 = arith.constant 128 : i32
        %mul3A_143 = arith.muli %sub3A_141, %mul3A_142 : i32
        %add3A_144 = arith.addi %mul3A_2, %mul3A_143 : i32
        %dma_wait3A_145 = arith.constant 0 : i32
        %dma_wait3A_146 = arith.constant 0 : i32
        %dma_wait3A_147 = arith.constant 0 : i32
        %dma_wait3A_148 = tpu.memref_slice %arg7[%dma_wait3A_145, %dma_wait3A_146, %dma_wait3A_147] : memref<2x128x128xf32, #tpu.memory_space<vmem>> -> memref<1x128x128xf32, #tpu.memory_space<vmem>>
        %dma_wait3A_149 = tpu.memref_squeeze %dma_wait3A_148 : memref<1x128x128xf32, #tpu.memory_space<vmem>> -> memref<128x128xf32, #tpu.memory_space<vmem>>
        %dma_wait3A_150 = arith.constant 0 : i32
        %dma_wait3A_151 = tpu.memref_slice %arg4[%add3A_144, %dma_wait3A_150] : memref<196608x128xf32, #tpu.memory_space<hbm>> -> memref<128x128xf32, #tpu.memory_space<hbm>>
        %dma_wait3A_152 = arith.constant 0 : i32
        %dma_wait3A_153 = tpu.memref_slice %arg4[%add3A_144, %dma_wait3A_152] : memref<196608x128xf32, #tpu.memory_space<hbm>> -> memref<128x128xf32, #tpu.memory_space<hbm>>
        %dma_wait3A_154 = arith.constant 0 : i32
        %dma_wait3A_155 = arith.constant 0 : i32
        %dma_wait3A_156 = tpu.memref_slice %arg7[%dma_wait3A_145, %dma_wait3A_154, %dma_wait3A_155] : memref<2x128x128xf32, #tpu.memory_space<vmem>> -> memref<1x128x128xf32, #tpu.memory_space<vmem>>
        %dma_wait3A_157 = tpu.memref_squeeze %dma_wait3A_156 : memref<1x128x128xf32, #tpu.memory_space<vmem>> -> memref<128x128xf32, #tpu.memory_space<vmem>>
        tpu.wait_dma2 semaphore(%arg10 : memref<!tpu.dma_semaphore, #tpu.memory_space<semaphore_mem>>) src(%dma_wait3A_157 : memref<128x128xf32, #tpu.memory_space<vmem>>) dst(%dma_wait3A_153 : memref<128x128xf32, #tpu.memory_space<hbm>>)
      } else {
      }
      %dma_start3A = arith.constant 0 : i32
      %dma_start3A_51 = arith.constant 0 : i32
      %dma_start3A_52 = arith.constant 0 : i32
      %dma_start3A_53 = tpu.memref_slice %arg7[%dma_start3A, %dma_start3A_51, %dma_start3A_52] : memref<2x128x128xf32, #tpu.memory_space<vmem>> -> memref<1x128x128xf32, #tpu.memory_space<vmem>>
      %dma_start3A_54 = tpu.memref_squeeze %dma_start3A_53 : memref<1x128x128xf32, #tpu.memory_space<vmem>> -> memref<128x128xf32, #tpu.memory_space<vmem>>
      %dma_start3A_55 = arith.constant 0 : i32
      %dma_start3A_56 = tpu.memref_slice %arg6[%add3A_46, %dma_start3A_55] : memref<48x128xi32, #tpu.memory_space<vmem>> -> memref<1x128xi32, #tpu.memory_space<vmem>>
      %dma_start3A_57 = tpu.memref_squeeze %dma_start3A_56 : memref<1x128xi32, #tpu.memory_space<vmem>> -> memref<128xi32, #tpu.memory_space<vmem>>
      %dma_start3A_58 = arith.constant 0 : i32
      %dma_start3A_59 = arith.constant 0 : i32
      %dma_start3A_60 = tpu.memref_slice %arg5[%dma_start3A_58, %dma_start3A_59] : memref<10000x128xf32, #tpu.memory_space<vmem_shared>> -> memref<10000x128xf32, #tpu.memory_space<vmem_shared>>
      tpu.enqueue_indirect_dma source(%dma_start3A_60 : memref<10000x128xf32, #tpu.memory_space<vmem_shared>>) target(%dma_start3A_54 : memref<128x128xf32, #tpu.memory_space<vmem>>) offsets(%dma_start3A_57 : memref<128xi32, #tpu.memory_space<vmem>>) semaphore(%arg8 : memref<!tpu.dma_semaphore, #tpu.memory_space<semaphore_mem>>)
      %dma_wait3A_61 = arith.constant 0 : i32
      %dma_wait3A_62 = arith.constant 0 : i32
      %dma_wait3A_63 = arith.constant 0 : i32
      %dma_wait3A_64 = tpu.memref_slice %arg7[%dma_wait3A_61, %dma_wait3A_62, %dma_wait3A_63] : memref<2x128x128xf32, #tpu.memory_space<vmem>> -> memref<1x128x128xf32, #tpu.memory_space<vmem>>
      %dma_wait3A_65 = tpu.memref_squeeze %dma_wait3A_64 : memref<1x128x128xf32, #tpu.memory_space<vmem>> -> memref<128x128xf32, #tpu.memory_space<vmem>>
      %dma_wait3A_66 = arith.constant 0 : i32
      %dma_wait3A_67 = arith.constant 0 : i32
      %dma_wait3A_68 = tpu.memref_slice %arg2[%dma_wait3A_66, %dma_wait3A_67] : memref<10000x128xf32, #tpu.memory_space<hbm>> -> memref<128x128xf32, #tpu.memory_space<hbm>>
      %dma_wait3A_69 = arith.constant 0 : i32
      %dma_wait3A_70 = arith.constant 0 : i32
      %dma_wait3A_71 = tpu.memref_slice %arg7[%dma_wait3A_61, %dma_wait3A_69, %dma_wait3A_70] : memref<2x128x128xf32, #tpu.memory_space<vmem>> -> memref<1x128x128xf32, #tpu.memory_space<vmem>>
      %dma_wait3A_72 = tpu.memref_squeeze %dma_wait3A_71 : memref<1x128x128xf32, #tpu.memory_space<vmem>> -> memref<128x128xf32, #tpu.memory_space<vmem>>
      %dma_wait3A_73 = arith.constant 0 : i32
      %dma_wait3A_74 = arith.constant 0 : i32
      %dma_wait3A_75 = tpu.memref_slice %arg2[%dma_wait3A_73, %dma_wait3A_74] : memref<10000x128xf32, #tpu.memory_space<hbm>> -> memref<128x128xf32, #tpu.memory_space<hbm>>
      tpu.wait_dma2 semaphore(%arg8 : memref<!tpu.dma_semaphore, #tpu.memory_space<semaphore_mem>>) src(%dma_wait3A_75 : memref<128x128xf32, #tpu.memory_space<hbm>>) dst(%dma_wait3A_72 : memref<128x128xf32, #tpu.memory_space<vmem>>)
      %mul3A_76 = arith.constant 128 : i32
      %mul3A_77 = arith.muli %add3A_46, %mul3A_76 : i32
      %add3A_78 = arith.addi %mul3A_2, %mul3A_77 : i32
      %dma_start3A_79 = arith.constant 0 : i32
      %dma_start3A_80 = arith.constant 0 : i32
      %dma_start3A_81 = arith.constant 0 : i32
      %dma_start3A_82 = tpu.memref_slice %arg7[%dma_start3A_79, %dma_start3A_80, %dma_start3A_81] : memref<2x128x128xf32, #tpu.memory_space<vmem>> -> memref<1x128x128xf32, #tpu.memory_space<vmem>>
      %dma_start3A_83 = tpu.memref_squeeze %dma_start3A_82 : memref<1x128x128xf32, #tpu.memory_space<vmem>> -> memref<128x128xf32, #tpu.memory_space<vmem>>
      %dma_start3A_84 = arith.constant 0 : i32
      %dma_start3A_85 = tpu.memref_slice %arg4[%add3A_78, %dma_start3A_84] : memref<196608x128xf32, #tpu.memory_space<hbm>> -> memref<128x128xf32, #tpu.memory_space<hbm>>
      %dma_start3A_86 = arith.constant 0 : i32
      %dma_start3A_87 = tpu.memref_slice %arg4[%add3A_78, %dma_start3A_86] : memref<196608x128xf32, #tpu.memory_space<hbm>> -> memref<128x128xf32, #tpu.memory_space<hbm>>
      %dma_start3A_88 = arith.constant 0 : i32
      %dma_start3A_89 = arith.constant 0 : i32
      %dma_start3A_90 = tpu.memref_slice %arg7[%dma_start3A_79, %dma_start3A_88, %dma_start3A_89] : memref<2x128x128xf32, #tpu.memory_space<vmem>> -> memref<1x128x128xf32, #tpu.memory_space<vmem>>
      %dma_start3A_91 = tpu.memref_squeeze %dma_start3A_90 : memref<1x128x128xf32, #tpu.memory_space<vmem>> -> memref<128x128xf32, #tpu.memory_space<vmem>>
      tpu.enqueue_dma source(%dma_start3A_91 : memref<128x128xf32, #tpu.memory_space<vmem>>) target(%dma_start3A_87 : memref<128x128xf32, #tpu.memory_space<hbm>>) target_semaphore(%arg10 : memref<!tpu.dma_semaphore, #tpu.memory_space<semaphore_mem>>)
      %add3A_92 = arith.constant 1 : i32
      %add3A_93 = arith.addi %add3A_44, %add3A_92 : i32
      %ge3A_94 = arith.constant 2 : i32
      %ge3A_95 = arith.cmpi sge, %add3A_93, %ge3A_94 : i32
      %convert_element_type3A_96 = arith.extui %ge3A_95 : i1 to i32
      %cond3A_97 = arith.constant 0 : i32
      %cond3A_98 = arith.cmpi ne, %convert_element_type3A_96, %cond3A_97 : i32
      scf.if %cond3A_98 {
        %sub3A = arith.constant 2 : i32
        %sub3A_141 = arith.subi %add3A_93, %sub3A : i32
        %mul3A_142 = arith.constant 128 : i32
        %mul3A_143 = arith.muli %sub3A_141, %mul3A_142 : i32
        %add3A_144 = arith.addi %mul3A_2, %mul3A_143 : i32
        %dma_wait3A_145 = arith.constant 1 : i32
        %dma_wait3A_146 = arith.constant 0 : i32
        %dma_wait3A_147 = arith.constant 0 : i32
        %dma_wait3A_148 = tpu.memref_slice %arg7[%dma_wait3A_145, %dma_wait3A_146, %dma_wait3A_147] : memref<2x128x128xf32, #tpu.memory_space<vmem>> -> memref<1x128x128xf32, #tpu.memory_space<vmem>>
        %dma_wait3A_149 = tpu.memref_squeeze %dma_wait3A_148 : memref<1x128x128xf32, #tpu.memory_space<vmem>> -> memref<128x128xf32, #tpu.memory_space<vmem>>
        %dma_wait3A_150 = arith.constant 0 : i32
        %dma_wait3A_151 = tpu.memref_slice %arg4[%add3A_144, %dma_wait3A_150] : memref<196608x128xf32, #tpu.memory_space<hbm>> -> memref<128x128xf32, #tpu.memory_space<hbm>>
        %dma_wait3A_152 = arith.constant 0 : i32
        %dma_wait3A_153 = tpu.memref_slice %arg4[%add3A_144, %dma_wait3A_152] : memref<196608x128xf32, #tpu.memory_space<hbm>> -> memref<128x128xf32, #tpu.memory_space<hbm>>
        %dma_wait3A_154 = arith.constant 0 : i32
        %dma_wait3A_155 = arith.constant 0 : i32
        %dma_wait3A_156 = tpu.memref_slice %arg7[%dma_wait3A_145, %dma_wait3A_154, %dma_wait3A_155] : memref<2x128x128xf32, #tpu.memory_space<vmem>> -> memref<1x128x128xf32, #tpu.memory_space<vmem>>
        %dma_wait3A_157 = tpu.memref_squeeze %dma_wait3A_156 : memref<1x128x128xf32, #tpu.memory_space<vmem>> -> memref<128x128xf32, #tpu.memory_space<vmem>>
        tpu.wait_dma2 semaphore(%arg11 : memref<!tpu.dma_semaphore, #tpu.memory_space<semaphore_mem>>) src(%dma_wait3A_157 : memref<128x128xf32, #tpu.memory_space<vmem>>) dst(%dma_wait3A_153 : memref<128x128xf32, #tpu.memory_space<hbm>>)
      } else {
      }
      %dma_start3A_99 = arith.constant 1 : i32
      %dma_start3A_100 = arith.constant 0 : i32
      %dma_start3A_101 = arith.constant 0 : i32
      %dma_start3A_102 = tpu.memref_slice %arg7[%dma_start3A_99, %dma_start3A_100, %dma_start3A_101] : memref<2x128x128xf32, #tpu.memory_space<vmem>> -> memref<1x128x128xf32, #tpu.memory_space<vmem>>
      %dma_start3A_103 = tpu.memref_squeeze %dma_start3A_102 : memref<1x128x128xf32, #tpu.memory_space<vmem>> -> memref<128x128xf32, #tpu.memory_space<vmem>>
      %dma_start3A_104 = arith.constant 0 : i32
      %dma_start3A_105 = tpu.memref_slice %arg6[%add3A_93, %dma_start3A_104] : memref<48x128xi32, #tpu.memory_space<vmem>> -> memref<1x128xi32, #tpu.memory_space<vmem>>
      %dma_start3A_106 = tpu.memref_squeeze %dma_start3A_105 : memref<1x128xi32, #tpu.memory_space<vmem>> -> memref<128xi32, #tpu.memory_space<vmem>>
      %dma_start3A_107 = arith.constant 0 : i32
      %dma_start3A_108 = arith.constant 0 : i32
      %dma_start3A_109 = tpu.memref_slice %arg5[%dma_start3A_107, %dma_start3A_108] : memref<10000x128xf32, #tpu.memory_space<vmem_shared>> -> memref<10000x128xf32, #tpu.memory_space<vmem_shared>>
      tpu.enqueue_indirect_dma source(%dma_start3A_109 : memref<10000x128xf32, #tpu.memory_space<vmem_shared>>) target(%dma_start3A_103 : memref<128x128xf32, #tpu.memory_space<vmem>>) offsets(%dma_start3A_106 : memref<128xi32, #tpu.memory_space<vmem>>) semaphore(%arg9 : memref<!tpu.dma_semaphore, #tpu.memory_space<semaphore_mem>>)
      %dma_wait3A_110 = arith.constant 1 : i32
      %dma_wait3A_111 = arith.constant 0 : i32
      %dma_wait3A_112 = arith.constant 0 : i32
      %dma_wait3A_113 = tpu.memref_slice %arg7[%dma_wait3A_110, %dma_wait3A_111, %dma_wait3A_112] : memref<2x128x128xf32, #tpu.memory_space<vmem>> -> memref<1x128x128xf32, #tpu.memory_space<vmem>>
      %dma_wait3A_114 = tpu.memref_squeeze %dma_wait3A_113 : memref<1x128x128xf32, #tpu.memory_space<vmem>> -> memref<128x128xf32, #tpu.memory_space<vmem>>
      %dma_wait3A_115 = arith.constant 0 : i32
      %dma_wait3A_116 = arith.constant 0 : i32
      %dma_wait3A_117 = tpu.memref_slice %arg2[%dma_wait3A_115, %dma_wait3A_116] : memref<10000x128xf32, #tpu.memory_space<hbm>> -> memref<128x128xf32, #tpu.memory_space<hbm>>
      %dma_wait3A_118 = arith.constant 0 : i32
      %dma_wait3A_119 = arith.constant 0 : i32
      %dma_wait3A_120 = tpu.memref_slice %arg7[%dma_wait3A_110, %dma_wait3A_118, %dma_wait3A_119] : memref<2x128x128xf32, #tpu.memory_space<vmem>> -> memref<1x128x128xf32, #tpu.memory_space<vmem>>
      %dma_wait3A_121 = tpu.memref_squeeze %dma_wait3A_120 : memref<1x128x128xf32, #tpu.memory_space<vmem>> -> memref<128x128xf32, #tpu.memory_space<vmem>>
      %dma_wait3A_122 = arith.constant 0 : i32
      %dma_wait3A_123 = arith.constant 0 : i32
      %dma_wait3A_124 = tpu.memref_slice %arg2[%dma_wait3A_122, %dma_wait3A_123] : memref<10000x128xf32, #tpu.memory_space<hbm>> -> memref<128x128xf32, #tpu.memory_space<hbm>>
      tpu.wait_dma2 semaphore(%arg9 : memref<!tpu.dma_semaphore, #tpu.memory_space<semaphore_mem>>) src(%dma_wait3A_124 : memref<128x128xf32, #tpu.memory_space<hbm>>) dst(%dma_wait3A_121 : memref<128x128xf32, #tpu.memory_space<vmem>>)
      %mul3A_125 = arith.constant 128 : i32
      %mul3A_126 = arith.muli %add3A_93, %mul3A_125 : i32
      %add3A_127 = arith.addi %mul3A_2, %mul3A_126 : i32
      %dma_start3A_128 = arith.constant 1 : i32
      %dma_start3A_129 = arith.constant 0 : i32
      %dma_start3A_130 = arith.constant 0 : i32
      %dma_start3A_131 = tpu.memref_slice %arg7[%dma_start3A_128, %dma_start3A_129, %dma_start3A_130] : memref<2x128x128xf32, #tpu.memory_space<vmem>> -> memref<1x128x128xf32, #tpu.memory_space<vmem>>
      %dma_start3A_132 = tpu.memref_squeeze %dma_start3A_131 : memref<1x128x128xf32, #tpu.memory_space<vmem>> -> memref<128x128xf32, #tpu.memory_space<vmem>>
      %dma_start3A_133 = arith.constant 0 : i32
      %dma_start3A_134 = tpu.memref_slice %arg4[%add3A_127, %dma_start3A_133] : memref<196608x128xf32, #tpu.memory_space<hbm>> -> memref<128x128xf32, #tpu.memory_space<hbm>>
      %dma_start3A_135 = arith.constant 0 : i32
      %dma_start3A_136 = tpu.memref_slice %arg4[%add3A_127, %dma_start3A_135] : memref<196608x128xf32, #tpu.memory_space<hbm>> -> memref<128x128xf32, #tpu.memory_space<hbm>>
      %dma_start3A_137 = arith.constant 0 : i32
      %dma_start3A_138 = arith.constant 0 : i32
      %dma_start3A_139 = tpu.memref_slice %arg7[%dma_start3A_128, %dma_start3A_137, %dma_start3A_138] : memref<2x128x128xf32, #tpu.memory_space<vmem>> -> memref<1x128x128xf32, #tpu.memory_space<vmem>>
      %dma_start3A_140 = tpu.memref_squeeze %dma_start3A_139 : memref<1x128x128xf32, #tpu.memory_space<vmem>> -> memref<128x128xf32, #tpu.memory_space<vmem>>
      tpu.enqueue_dma source(%dma_start3A_140 : memref<128x128xf32, #tpu.memory_space<vmem>>) target(%dma_start3A_136 : memref<128x128xf32, #tpu.memory_space<hbm>>) target_semaphore(%arg11 : memref<!tpu.dma_semaphore, #tpu.memory_space<semaphore_mem>>)
    }
    %scan3A_10 = arith.constant 24 : i32
    %add3A_11 = arith.constant 5888 : i32
    %add3A_12 = arith.addi %mul3A_2, %add3A_11 : i32
    %dma_wait3A = arith.constant 0 : i32
    %dma_wait3A_13 = arith.constant 0 : i32
    %dma_wait3A_14 = arith.constant 0 : i32
    %dma_wait3A_15 = tpu.memref_slice %arg7[%dma_wait3A, %dma_wait3A_13, %dma_wait3A_14] : memref<2x128x128xf32, #tpu.memory_space<vmem>> -> memref<1x128x128xf32, #tpu.memory_space<vmem>>
    %dma_wait3A_16 = tpu.memref_squeeze %dma_wait3A_15 : memref<1x128x128xf32, #tpu.memory_space<vmem>> -> memref<128x128xf32, #tpu.memory_space<vmem>>
    %dma_wait3A_17 = arith.constant 0 : i32
    %dma_wait3A_18 = tpu.memref_slice %arg4[%add3A_12, %dma_wait3A_17] : memref<196608x128xf32, #tpu.memory_space<hbm>> -> memref<128x128xf32, #tpu.memory_space<hbm>>
    %dma_wait3A_19 = arith.constant 0 : i32
    %dma_wait3A_20 = tpu.memref_slice %arg4[%add3A_12, %dma_wait3A_19] : memref<196608x128xf32, #tpu.memory_space<hbm>> -> memref<128x128xf32, #tpu.memory_space<hbm>>
    %dma_wait3A_21 = arith.constant 0 : i32
    %dma_wait3A_22 = arith.constant 0 : i32
    %dma_wait3A_23 = tpu.memref_slice %arg7[%dma_wait3A, %dma_wait3A_21, %dma_wait3A_22] : memref<2x128x128xf32, #tpu.memory_space<vmem>> -> memref<1x128x128xf32, #tpu.memory_space<vmem>>
    %dma_wait3A_24 = tpu.memref_squeeze %dma_wait3A_23 : memref<1x128x128xf32, #tpu.memory_space<vmem>> -> memref<128x128xf32, #tpu.memory_space<vmem>>
    tpu.wait_dma2 semaphore(%arg10 : memref<!tpu.dma_semaphore, #tpu.memory_space<semaphore_mem>>) src(%dma_wait3A_24 : memref<128x128xf32, #tpu.memory_space<vmem>>) dst(%dma_wait3A_20 : memref<128x128xf32, #tpu.memory_space<hbm>>)
    %add3A_25 = arith.constant 6016 : i32
    %add3A_26 = arith.addi %mul3A_2, %add3A_25 : i32
    %dma_wait3A_27 = arith.constant 1 : i32
    %dma_wait3A_28 = arith.constant 0 : i32
    %dma_wait3A_29 = arith.constant 0 : i32
    %dma_wait3A_30 = tpu.memref_slice %arg7[%dma_wait3A_27, %dma_wait3A_28, %dma_wait3A_29] : memref<2x128x128xf32, #tpu.memory_space<vmem>> -> memref<1x128x128xf32, #tpu.memory_space<vmem>>
    %dma_wait3A_31 = tpu.memref_squeeze %dma_wait3A_30 : memref<1x128x128xf32, #tpu.memory_space<vmem>> -> memref<128x128xf32, #tpu.memory_space<vmem>>
    %dma_wait3A_32 = arith.constant 0 : i32
    %dma_wait3A_33 = tpu.memref_slice %arg4[%add3A_26, %dma_wait3A_32] : memref<196608x128xf32, #tpu.memory_space<hbm>> -> memref<128x128xf32, #tpu.memory_space<hbm>>
    %dma_wait3A_34 = arith.constant 0 : i32
    %dma_wait3A_35 = tpu.memref_slice %arg4[%add3A_26, %dma_wait3A_34] : memref<196608x128xf32, #tpu.memory_space<hbm>> -> memref<128x128xf32, #tpu.memory_space<hbm>>
    %dma_wait3A_36 = arith.constant 0 : i32
    %dma_wait3A_37 = arith.constant 0 : i32
    %dma_wait3A_38 = tpu.memref_slice %arg7[%dma_wait3A_27, %dma_wait3A_36, %dma_wait3A_37] : memref<2x128x128xf32, #tpu.memory_space<vmem>> -> memref<1x128x128xf32, #tpu.memory_space<vmem>>
    %dma_wait3A_39 = tpu.memref_squeeze %dma_wait3A_38 : memref<1x128x128xf32, #tpu.memory_space<vmem>> -> memref<128x128xf32, #tpu.memory_space<vmem>>
    tpu.wait_dma2 semaphore(%arg11 : memref<!tpu.dma_semaphore, #tpu.memory_space<semaphore_mem>>) src(%dma_wait3A_39 : memref<128x128xf32, #tpu.memory_space<vmem>>) dst(%dma_wait3A_35 : memref<128x128xf32, #tpu.memory_space<hbm>>)
    return
  }
}

#map = affine_map<(d0, d1) -> (0, 0)>
module attributes {stable_mosaic.version = 14 : i64} {
  func.func @body(%arg0: i32, %arg1: i32, %arg2: memref<10000x128xf32, #tpu.memory_space<hbm>>, %arg3: memref<2048x128xi32, #tpu.memory_space<hbm>>, %arg4: memref<262144x128xf32, #tpu.memory_space<hbm>>, %arg5: memref<10000x128xf32, #tpu.memory_space<vmem_shared>>, %arg6: memref<64x128xi32, #tpu.memory_space<vmem>>, %arg7: memref<2x128x128xf32, #tpu.memory_space<vmem>>, %arg8: memref<!tpu.dma_semaphore, #tpu.memory_space<semaphore_mem>>, %arg9: memref<!tpu.dma_semaphore, #tpu.memory_space<semaphore_mem>>, %arg10: memref<!tpu.dma_semaphore, #tpu.memory_space<semaphore_mem>>, %arg11: memref<!tpu.dma_semaphore, #tpu.memory_space<semaphore_mem>>) attributes {dimension_semantics = [#tpu.dimension_semantics<core_parallel>, #tpu.dimension_semantics<subcore_parallel>], iteration_bounds = array<i64: 2, 16>, scalar_prefetch = 0 : i64, scratch_operands = 7 : i64, tpu.core_type = #tpu.core_type<sc_vector_subcore>, window_params = [{transform_indices = #map}, {transform_indices = #map}, {transform_indices = #map}]} {
    %mul3A = arith.constant 2 : i32
    %mul3A_0 = arith.muli %arg1, %mul3A : i32
    %add3A = arith.addi %mul3A_0, %arg0 : i32
    %mul3A_1 = arith.constant 8192 : i32
    %mul3A_2 = arith.muli %add3A, %mul3A_1 : i32
    %eq3A = arith.constant 0 : i32
    %eq3A_3 = arith.cmpi eq, %arg1, %eq3A : i32
    %convert_element_type3A = arith.extui %eq3A_3 : i1 to i32
    %cond3A = arith.constant 0 : i32
    %cond3A_4 = arith.cmpi ne, %convert_element_type3A, %cond3A : i32
    scf.if %cond3A_4 {
      "tpu.region"() ({
        %run_scoped3A = tpu.sem_alloc : memref<!tpu.dma_semaphore, #tpu.memory_space<semaphore_mem>>
        tpu.enqueue_dma source(%arg2 : memref<10000x128xf32, #tpu.memory_space<hbm>>) target(%arg5 : memref<10000x128xf32, #tpu.memory_space<vmem_shared>>) target_semaphore(%run_scoped3A : memref<!tpu.dma_semaphore, #tpu.memory_space<semaphore_mem>>)
        tpu.wait_dma2 semaphore(%run_scoped3A : memref<!tpu.dma_semaphore, #tpu.memory_space<semaphore_mem>>) src(%arg2 : memref<10000x128xf32, #tpu.memory_space<hbm>>) dst(%arg5 : memref<10000x128xf32, #tpu.memory_space<vmem_shared>>)
        tpu.yield
      }) : () -> ()
    } else {
    }
    %mul3A_5 = arith.constant 64 : i32
    %mul3A_6 = arith.muli %add3A, %mul3A_5 : i32
    "tpu.region"() ({
      %run_scoped3A = tpu.sem_alloc : memref<!tpu.dma_semaphore, #tpu.memory_space<semaphore_mem>>
      %dma_start3A = arith.constant 0 : i32
      %dma_start3A_40 = tpu.memref_slice %arg3[%mul3A_6, %dma_start3A] : memref<2048x128xi32, #tpu.memory_space<hbm>> -> memref<64x128xi32, #tpu.memory_space<hbm>>
      %dma_start3A_41 = arith.constant 0 : i32
      %dma_start3A_42 = tpu.memref_slice %arg3[%mul3A_6, %dma_start3A_41] : memref<2048x128xi32, #tpu.memory_space<hbm>> -> memref<64x128xi32, #tpu.memory_space<hbm>>
      tpu.enqueue_dma source(%dma_start3A_42 : memref<64x128xi32, #tpu.memory_space<hbm>>) target(%arg6 : memref<64x128xi32, #tpu.memory_space<vmem>>) target_semaphore(%run_scoped3A : memref<!tpu.dma_semaphore, #tpu.memory_space<semaphore_mem>>)
      %dma_wait3A_43 = arith.constant 0 : i32
      %dma_wait3A_44 = tpu.memref_slice %arg3[%mul3A_6, %dma_wait3A_43] : memref<2048x128xi32, #tpu.memory_space<hbm>> -> memref<64x128xi32, #tpu.memory_space<hbm>>
      %dma_wait3A_45 = arith.constant 0 : i32
      %dma_wait3A_46 = tpu.memref_slice %arg3[%mul3A_6, %dma_wait3A_45] : memref<2048x128xi32, #tpu.memory_space<hbm>> -> memref<64x128xi32, #tpu.memory_space<hbm>>
      tpu.wait_dma2 semaphore(%run_scoped3A : memref<!tpu.dma_semaphore, #tpu.memory_space<semaphore_mem>>) src(%dma_wait3A_46 : memref<64x128xi32, #tpu.memory_space<hbm>>) dst(%arg6 : memref<64x128xi32, #tpu.memory_space<vmem>>)
      tpu.yield
    }) : () -> ()
    %barrier3A = arith.constant 0 : index
    tpu.barrier barrier_id(%barrier3A)
    %scan3A = arith.constant 0 : i32
    %scan3A_7 = arith.constant 32 : i32
    %scan3A_8 = arith.addi %scan3A, %scan3A_7 : i32
    %scan3A_9 = arith.constant 1 : i32
    scf.for %scan3A_40 = %scan3A to %scan3A_8 step %scan3A_9  : i32 {
      %mul3A_41 = arith.constant 2 : i32
      %mul3A_42 = arith.muli %scan3A_40, %mul3A_41 : i32
      %add3A_43 = arith.constant 0 : i32
      %add3A_44 = arith.addi %add3A_43, %mul3A_42 : i32
      %add3A_45 = arith.constant 0 : i32
      %add3A_46 = arith.addi %add3A_44, %add3A_45 : i32
      %ge3A = arith.constant 2 : i32
      %ge3A_47 = arith.cmpi sge, %add3A_46, %ge3A : i32
      %convert_element_type3A_48 = arith.extui %ge3A_47 : i1 to i32
      %cond3A_49 = arith.constant 0 : i32
      %cond3A_50 = arith.cmpi ne, %convert_element_type3A_48, %cond3A_49 : i32
      scf.if %cond3A_50 {
        %sub3A = arith.constant 2 : i32
        %sub3A_141 = arith.subi %add3A_46, %sub3A : i32
        %mul3A_142 = arith.constant 128 : i32
        %mul3A_143 = arith.muli %sub3A_141, %mul3A_142 : i32
        %add3A_144 = arith.addi %mul3A_2, %mul3A_143 : i32
        %dma_wait3A_145 = arith.constant 0 : i32
        %dma_wait3A_146 = arith.constant 0 : i32
        %dma_wait3A_147 = arith.constant 0 : i32
        %dma_wait3A_148 = tpu.memref_slice %arg7[%dma_wait3A_145, %dma_wait3A_146, %dma_wait3A_147] : memref<2x128x128xf32, #tpu.memory_space<vmem>> -> memref<1x128x128xf32, #tpu.memory_space<vmem>>
        %dma_wait3A_149 = tpu.memref_squeeze %dma_wait3A_148 : memref<1x128x128xf32, #tpu.memory_space<vmem>> -> memref<128x128xf32, #tpu.memory_space<vmem>>
        %dma_wait3A_150 = arith.constant 0 : i32
        %dma_wait3A_151 = tpu.memref_slice %arg4[%add3A_144, %dma_wait3A_150] : memref<262144x128xf32, #tpu.memory_space<hbm>> -> memref<128x128xf32, #tpu.memory_space<hbm>>
        %dma_wait3A_152 = arith.constant 0 : i32
        %dma_wait3A_153 = tpu.memref_slice %arg4[%add3A_144, %dma_wait3A_152] : memref<262144x128xf32, #tpu.memory_space<hbm>> -> memref<128x128xf32, #tpu.memory_space<hbm>>
        %dma_wait3A_154 = arith.constant 0 : i32
        %dma_wait3A_155 = arith.constant 0 : i32
        %dma_wait3A_156 = tpu.memref_slice %arg7[%dma_wait3A_145, %dma_wait3A_154, %dma_wait3A_155] : memref<2x128x128xf32, #tpu.memory_space<vmem>> -> memref<1x128x128xf32, #tpu.memory_space<vmem>>
        %dma_wait3A_157 = tpu.memref_squeeze %dma_wait3A_156 : memref<1x128x128xf32, #tpu.memory_space<vmem>> -> memref<128x128xf32, #tpu.memory_space<vmem>>
        tpu.wait_dma2 semaphore(%arg10 : memref<!tpu.dma_semaphore, #tpu.memory_space<semaphore_mem>>) src(%dma_wait3A_157 : memref<128x128xf32, #tpu.memory_space<vmem>>) dst(%dma_wait3A_153 : memref<128x128xf32, #tpu.memory_space<hbm>>)
      } else {
      }
      %dma_start3A = arith.constant 0 : i32
      %dma_start3A_51 = arith.constant 0 : i32
      %dma_start3A_52 = arith.constant 0 : i32
      %dma_start3A_53 = tpu.memref_slice %arg7[%dma_start3A, %dma_start3A_51, %dma_start3A_52] : memref<2x128x128xf32, #tpu.memory_space<vmem>> -> memref<1x128x128xf32, #tpu.memory_space<vmem>>
      %dma_start3A_54 = tpu.memref_squeeze %dma_start3A_53 : memref<1x128x128xf32, #tpu.memory_space<vmem>> -> memref<128x128xf32, #tpu.memory_space<vmem>>
      %dma_start3A_55 = arith.constant 0 : i32
      %dma_start3A_56 = tpu.memref_slice %arg6[%add3A_46, %dma_start3A_55] : memref<64x128xi32, #tpu.memory_space<vmem>> -> memref<1x128xi32, #tpu.memory_space<vmem>>
      %dma_start3A_57 = tpu.memref_squeeze %dma_start3A_56 : memref<1x128xi32, #tpu.memory_space<vmem>> -> memref<128xi32, #tpu.memory_space<vmem>>
      %dma_start3A_58 = arith.constant 0 : i32
      %dma_start3A_59 = arith.constant 0 : i32
      %dma_start3A_60 = tpu.memref_slice %arg5[%dma_start3A_58, %dma_start3A_59] : memref<10000x128xf32, #tpu.memory_space<vmem_shared>> -> memref<10000x128xf32, #tpu.memory_space<vmem_shared>>
      tpu.enqueue_indirect_dma source(%dma_start3A_60 : memref<10000x128xf32, #tpu.memory_space<vmem_shared>>) target(%dma_start3A_54 : memref<128x128xf32, #tpu.memory_space<vmem>>) offsets(%dma_start3A_57 : memref<128xi32, #tpu.memory_space<vmem>>) semaphore(%arg8 : memref<!tpu.dma_semaphore, #tpu.memory_space<semaphore_mem>>)
      %dma_wait3A_61 = arith.constant 0 : i32
      %dma_wait3A_62 = arith.constant 0 : i32
      %dma_wait3A_63 = arith.constant 0 : i32
      %dma_wait3A_64 = tpu.memref_slice %arg7[%dma_wait3A_61, %dma_wait3A_62, %dma_wait3A_63] : memref<2x128x128xf32, #tpu.memory_space<vmem>> -> memref<1x128x128xf32, #tpu.memory_space<vmem>>
      %dma_wait3A_65 = tpu.memref_squeeze %dma_wait3A_64 : memref<1x128x128xf32, #tpu.memory_space<vmem>> -> memref<128x128xf32, #tpu.memory_space<vmem>>
      %dma_wait3A_66 = arith.constant 0 : i32
      %dma_wait3A_67 = arith.constant 0 : i32
      %dma_wait3A_68 = tpu.memref_slice %arg2[%dma_wait3A_66, %dma_wait3A_67] : memref<10000x128xf32, #tpu.memory_space<hbm>> -> memref<128x128xf32, #tpu.memory_space<hbm>>
      %dma_wait3A_69 = arith.constant 0 : i32
      %dma_wait3A_70 = arith.constant 0 : i32
      %dma_wait3A_71 = tpu.memref_slice %arg7[%dma_wait3A_61, %dma_wait3A_69, %dma_wait3A_70] : memref<2x128x128xf32, #tpu.memory_space<vmem>> -> memref<1x128x128xf32, #tpu.memory_space<vmem>>
      %dma_wait3A_72 = tpu.memref_squeeze %dma_wait3A_71 : memref<1x128x128xf32, #tpu.memory_space<vmem>> -> memref<128x128xf32, #tpu.memory_space<vmem>>
      %dma_wait3A_73 = arith.constant 0 : i32
      %dma_wait3A_74 = arith.constant 0 : i32
      %dma_wait3A_75 = tpu.memref_slice %arg2[%dma_wait3A_73, %dma_wait3A_74] : memref<10000x128xf32, #tpu.memory_space<hbm>> -> memref<128x128xf32, #tpu.memory_space<hbm>>
      tpu.wait_dma2 semaphore(%arg8 : memref<!tpu.dma_semaphore, #tpu.memory_space<semaphore_mem>>) src(%dma_wait3A_75 : memref<128x128xf32, #tpu.memory_space<hbm>>) dst(%dma_wait3A_72 : memref<128x128xf32, #tpu.memory_space<vmem>>)
      %mul3A_76 = arith.constant 128 : i32
      %mul3A_77 = arith.muli %add3A_46, %mul3A_76 : i32
      %add3A_78 = arith.addi %mul3A_2, %mul3A_77 : i32
      %dma_start3A_79 = arith.constant 0 : i32
      %dma_start3A_80 = arith.constant 0 : i32
      %dma_start3A_81 = arith.constant 0 : i32
      %dma_start3A_82 = tpu.memref_slice %arg7[%dma_start3A_79, %dma_start3A_80, %dma_start3A_81] : memref<2x128x128xf32, #tpu.memory_space<vmem>> -> memref<1x128x128xf32, #tpu.memory_space<vmem>>
      %dma_start3A_83 = tpu.memref_squeeze %dma_start3A_82 : memref<1x128x128xf32, #tpu.memory_space<vmem>> -> memref<128x128xf32, #tpu.memory_space<vmem>>
      %dma_start3A_84 = arith.constant 0 : i32
      %dma_start3A_85 = tpu.memref_slice %arg4[%add3A_78, %dma_start3A_84] : memref<262144x128xf32, #tpu.memory_space<hbm>> -> memref<128x128xf32, #tpu.memory_space<hbm>>
      %dma_start3A_86 = arith.constant 0 : i32
      %dma_start3A_87 = tpu.memref_slice %arg4[%add3A_78, %dma_start3A_86] : memref<262144x128xf32, #tpu.memory_space<hbm>> -> memref<128x128xf32, #tpu.memory_space<hbm>>
      %dma_start3A_88 = arith.constant 0 : i32
      %dma_start3A_89 = arith.constant 0 : i32
      %dma_start3A_90 = tpu.memref_slice %arg7[%dma_start3A_79, %dma_start3A_88, %dma_start3A_89] : memref<2x128x128xf32, #tpu.memory_space<vmem>> -> memref<1x128x128xf32, #tpu.memory_space<vmem>>
      %dma_start3A_91 = tpu.memref_squeeze %dma_start3A_90 : memref<1x128x128xf32, #tpu.memory_space<vmem>> -> memref<128x128xf32, #tpu.memory_space<vmem>>
      tpu.enqueue_dma source(%dma_start3A_91 : memref<128x128xf32, #tpu.memory_space<vmem>>) target(%dma_start3A_87 : memref<128x128xf32, #tpu.memory_space<hbm>>) target_semaphore(%arg10 : memref<!tpu.dma_semaphore, #tpu.memory_space<semaphore_mem>>)
      %add3A_92 = arith.constant 1 : i32
      %add3A_93 = arith.addi %add3A_44, %add3A_92 : i32
      %ge3A_94 = arith.constant 2 : i32
      %ge3A_95 = arith.cmpi sge, %add3A_93, %ge3A_94 : i32
      %convert_element_type3A_96 = arith.extui %ge3A_95 : i1 to i32
      %cond3A_97 = arith.constant 0 : i32
      %cond3A_98 = arith.cmpi ne, %convert_element_type3A_96, %cond3A_97 : i32
      scf.if %cond3A_98 {
        %sub3A = arith.constant 2 : i32
        %sub3A_141 = arith.subi %add3A_93, %sub3A : i32
        %mul3A_142 = arith.constant 128 : i32
        %mul3A_143 = arith.muli %sub3A_141, %mul3A_142 : i32
        %add3A_144 = arith.addi %mul3A_2, %mul3A_143 : i32
        %dma_wait3A_145 = arith.constant 1 : i32
        %dma_wait3A_146 = arith.constant 0 : i32
        %dma_wait3A_147 = arith.constant 0 : i32
        %dma_wait3A_148 = tpu.memref_slice %arg7[%dma_wait3A_145, %dma_wait3A_146, %dma_wait3A_147] : memref<2x128x128xf32, #tpu.memory_space<vmem>> -> memref<1x128x128xf32, #tpu.memory_space<vmem>>
        %dma_wait3A_149 = tpu.memref_squeeze %dma_wait3A_148 : memref<1x128x128xf32, #tpu.memory_space<vmem>> -> memref<128x128xf32, #tpu.memory_space<vmem>>
        %dma_wait3A_150 = arith.constant 0 : i32
        %dma_wait3A_151 = tpu.memref_slice %arg4[%add3A_144, %dma_wait3A_150] : memref<262144x128xf32, #tpu.memory_space<hbm>> -> memref<128x128xf32, #tpu.memory_space<hbm>>
        %dma_wait3A_152 = arith.constant 0 : i32
        %dma_wait3A_153 = tpu.memref_slice %arg4[%add3A_144, %dma_wait3A_152] : memref<262144x128xf32, #tpu.memory_space<hbm>> -> memref<128x128xf32, #tpu.memory_space<hbm>>
        %dma_wait3A_154 = arith.constant 0 : i32
        %dma_wait3A_155 = arith.constant 0 : i32
        %dma_wait3A_156 = tpu.memref_slice %arg7[%dma_wait3A_145, %dma_wait3A_154, %dma_wait3A_155] : memref<2x128x128xf32, #tpu.memory_space<vmem>> -> memref<1x128x128xf32, #tpu.memory_space<vmem>>
        %dma_wait3A_157 = tpu.memref_squeeze %dma_wait3A_156 : memref<1x128x128xf32, #tpu.memory_space<vmem>> -> memref<128x128xf32, #tpu.memory_space<vmem>>
        tpu.wait_dma2 semaphore(%arg11 : memref<!tpu.dma_semaphore, #tpu.memory_space<semaphore_mem>>) src(%dma_wait3A_157 : memref<128x128xf32, #tpu.memory_space<vmem>>) dst(%dma_wait3A_153 : memref<128x128xf32, #tpu.memory_space<hbm>>)
      } else {
      }
      %dma_start3A_99 = arith.constant 1 : i32
      %dma_start3A_100 = arith.constant 0 : i32
      %dma_start3A_101 = arith.constant 0 : i32
      %dma_start3A_102 = tpu.memref_slice %arg7[%dma_start3A_99, %dma_start3A_100, %dma_start3A_101] : memref<2x128x128xf32, #tpu.memory_space<vmem>> -> memref<1x128x128xf32, #tpu.memory_space<vmem>>
      %dma_start3A_103 = tpu.memref_squeeze %dma_start3A_102 : memref<1x128x128xf32, #tpu.memory_space<vmem>> -> memref<128x128xf32, #tpu.memory_space<vmem>>
      %dma_start3A_104 = arith.constant 0 : i32
      %dma_start3A_105 = tpu.memref_slice %arg6[%add3A_93, %dma_start3A_104] : memref<64x128xi32, #tpu.memory_space<vmem>> -> memref<1x128xi32, #tpu.memory_space<vmem>>
      %dma_start3A_106 = tpu.memref_squeeze %dma_start3A_105 : memref<1x128xi32, #tpu.memory_space<vmem>> -> memref<128xi32, #tpu.memory_space<vmem>>
      %dma_start3A_107 = arith.constant 0 : i32
      %dma_start3A_108 = arith.constant 0 : i32
      %dma_start3A_109 = tpu.memref_slice %arg5[%dma_start3A_107, %dma_start3A_108] : memref<10000x128xf32, #tpu.memory_space<vmem_shared>> -> memref<10000x128xf32, #tpu.memory_space<vmem_shared>>
      tpu.enqueue_indirect_dma source(%dma_start3A_109 : memref<10000x128xf32, #tpu.memory_space<vmem_shared>>) target(%dma_start3A_103 : memref<128x128xf32, #tpu.memory_space<vmem>>) offsets(%dma_start3A_106 : memref<128xi32, #tpu.memory_space<vmem>>) semaphore(%arg9 : memref<!tpu.dma_semaphore, #tpu.memory_space<semaphore_mem>>)
      %dma_wait3A_110 = arith.constant 1 : i32
      %dma_wait3A_111 = arith.constant 0 : i32
      %dma_wait3A_112 = arith.constant 0 : i32
      %dma_wait3A_113 = tpu.memref_slice %arg7[%dma_wait3A_110, %dma_wait3A_111, %dma_wait3A_112] : memref<2x128x128xf32, #tpu.memory_space<vmem>> -> memref<1x128x128xf32, #tpu.memory_space<vmem>>
      %dma_wait3A_114 = tpu.memref_squeeze %dma_wait3A_113 : memref<1x128x128xf32, #tpu.memory_space<vmem>> -> memref<128x128xf32, #tpu.memory_space<vmem>>
      %dma_wait3A_115 = arith.constant 0 : i32
      %dma_wait3A_116 = arith.constant 0 : i32
      %dma_wait3A_117 = tpu.memref_slice %arg2[%dma_wait3A_115, %dma_wait3A_116] : memref<10000x128xf32, #tpu.memory_space<hbm>> -> memref<128x128xf32, #tpu.memory_space<hbm>>
      %dma_wait3A_118 = arith.constant 0 : i32
      %dma_wait3A_119 = arith.constant 0 : i32
      %dma_wait3A_120 = tpu.memref_slice %arg7[%dma_wait3A_110, %dma_wait3A_118, %dma_wait3A_119] : memref<2x128x128xf32, #tpu.memory_space<vmem>> -> memref<1x128x128xf32, #tpu.memory_space<vmem>>
      %dma_wait3A_121 = tpu.memref_squeeze %dma_wait3A_120 : memref<1x128x128xf32, #tpu.memory_space<vmem>> -> memref<128x128xf32, #tpu.memory_space<vmem>>
      %dma_wait3A_122 = arith.constant 0 : i32
      %dma_wait3A_123 = arith.constant 0 : i32
      %dma_wait3A_124 = tpu.memref_slice %arg2[%dma_wait3A_122, %dma_wait3A_123] : memref<10000x128xf32, #tpu.memory_space<hbm>> -> memref<128x128xf32, #tpu.memory_space<hbm>>
      tpu.wait_dma2 semaphore(%arg9 : memref<!tpu.dma_semaphore, #tpu.memory_space<semaphore_mem>>) src(%dma_wait3A_124 : memref<128x128xf32, #tpu.memory_space<hbm>>) dst(%dma_wait3A_121 : memref<128x128xf32, #tpu.memory_space<vmem>>)
      %mul3A_125 = arith.constant 128 : i32
      %mul3A_126 = arith.muli %add3A_93, %mul3A_125 : i32
      %add3A_127 = arith.addi %mul3A_2, %mul3A_126 : i32
      %dma_start3A_128 = arith.constant 1 : i32
      %dma_start3A_129 = arith.constant 0 : i32
      %dma_start3A_130 = arith.constant 0 : i32
      %dma_start3A_131 = tpu.memref_slice %arg7[%dma_start3A_128, %dma_start3A_129, %dma_start3A_130] : memref<2x128x128xf32, #tpu.memory_space<vmem>> -> memref<1x128x128xf32, #tpu.memory_space<vmem>>
      %dma_start3A_132 = tpu.memref_squeeze %dma_start3A_131 : memref<1x128x128xf32, #tpu.memory_space<vmem>> -> memref<128x128xf32, #tpu.memory_space<vmem>>
      %dma_start3A_133 = arith.constant 0 : i32
      %dma_start3A_134 = tpu.memref_slice %arg4[%add3A_127, %dma_start3A_133] : memref<262144x128xf32, #tpu.memory_space<hbm>> -> memref<128x128xf32, #tpu.memory_space<hbm>>
      %dma_start3A_135 = arith.constant 0 : i32
      %dma_start3A_136 = tpu.memref_slice %arg4[%add3A_127, %dma_start3A_135] : memref<262144x128xf32, #tpu.memory_space<hbm>> -> memref<128x128xf32, #tpu.memory_space<hbm>>
      %dma_start3A_137 = arith.constant 0 : i32
      %dma_start3A_138 = arith.constant 0 : i32
      %dma_start3A_139 = tpu.memref_slice %arg7[%dma_start3A_128, %dma_start3A_137, %dma_start3A_138] : memref<2x128x128xf32, #tpu.memory_space<vmem>> -> memref<1x128x128xf32, #tpu.memory_space<vmem>>
      %dma_start3A_140 = tpu.memref_squeeze %dma_start3A_139 : memref<1x128x128xf32, #tpu.memory_space<vmem>> -> memref<128x128xf32, #tpu.memory_space<vmem>>
      tpu.enqueue_dma source(%dma_start3A_140 : memref<128x128xf32, #tpu.memory_space<vmem>>) target(%dma_start3A_136 : memref<128x128xf32, #tpu.memory_space<hbm>>) target_semaphore(%arg11 : memref<!tpu.dma_semaphore, #tpu.memory_space<semaphore_mem>>)
    }
    %scan3A_10 = arith.constant 32 : i32
    %add3A_11 = arith.constant 7936 : i32
    %add3A_12 = arith.addi %mul3A_2, %add3A_11 : i32
    %dma_wait3A = arith.constant 0 : i32
    %dma_wait3A_13 = arith.constant 0 : i32
    %dma_wait3A_14 = arith.constant 0 : i32
    %dma_wait3A_15 = tpu.memref_slice %arg7[%dma_wait3A, %dma_wait3A_13, %dma_wait3A_14] : memref<2x128x128xf32, #tpu.memory_space<vmem>> -> memref<1x128x128xf32, #tpu.memory_space<vmem>>
    %dma_wait3A_16 = tpu.memref_squeeze %dma_wait3A_15 : memref<1x128x128xf32, #tpu.memory_space<vmem>> -> memref<128x128xf32, #tpu.memory_space<vmem>>
    %dma_wait3A_17 = arith.constant 0 : i32
    %dma_wait3A_18 = tpu.memref_slice %arg4[%add3A_12, %dma_wait3A_17] : memref<262144x128xf32, #tpu.memory_space<hbm>> -> memref<128x128xf32, #tpu.memory_space<hbm>>
    %dma_wait3A_19 = arith.constant 0 : i32
    %dma_wait3A_20 = tpu.memref_slice %arg4[%add3A_12, %dma_wait3A_19] : memref<262144x128xf32, #tpu.memory_space<hbm>> -> memref<128x128xf32, #tpu.memory_space<hbm>>
    %dma_wait3A_21 = arith.constant 0 : i32
    %dma_wait3A_22 = arith.constant 0 : i32
    %dma_wait3A_23 = tpu.memref_slice %arg7[%dma_wait3A, %dma_wait3A_21, %dma_wait3A_22] : memref<2x128x128xf32, #tpu.memory_space<vmem>> -> memref<1x128x128xf32, #tpu.memory_space<vmem>>
    %dma_wait3A_24 = tpu.memref_squeeze %dma_wait3A_23 : memref<1x128x128xf32, #tpu.memory_space<vmem>> -> memref<128x128xf32, #tpu.memory_space<vmem>>
    tpu.wait_dma2 semaphore(%arg10 : memref<!tpu.dma_semaphore, #tpu.memory_space<semaphore_mem>>) src(%dma_wait3A_24 : memref<128x128xf32, #tpu.memory_space<vmem>>) dst(%dma_wait3A_20 : memref<128x128xf32, #tpu.memory_space<hbm>>)
    %add3A_25 = arith.constant 8064 : i32
    %add3A_26 = arith.addi %mul3A_2, %add3A_25 : i32
    %dma_wait3A_27 = arith.constant 1 : i32
    %dma_wait3A_28 = arith.constant 0 : i32
    %dma_wait3A_29 = arith.constant 0 : i32
    %dma_wait3A_30 = tpu.memref_slice %arg7[%dma_wait3A_27, %dma_wait3A_28, %dma_wait3A_29] : memref<2x128x128xf32, #tpu.memory_space<vmem>> -> memref<1x128x128xf32, #tpu.memory_space<vmem>>
    %dma_wait3A_31 = tpu.memref_squeeze %dma_wait3A_30 : memref<1x128x128xf32, #tpu.memory_space<vmem>> -> memref<128x128xf32, #tpu.memory_space<vmem>>
    %dma_wait3A_32 = arith.constant 0 : i32
    %dma_wait3A_33 = tpu.memref_slice %arg4[%add3A_26, %dma_wait3A_32] : memref<262144x128xf32, #tpu.memory_space<hbm>> -> memref<128x128xf32, #tpu.memory_space<hbm>>
    %dma_wait3A_34 = arith.constant 0 : i32
    %dma_wait3A_35 = tpu.memref_slice %arg4[%add3A_26, %dma_wait3A_34] : memref<262144x128xf32, #tpu.memory_space<hbm>> -> memref<128x128xf32, #tpu.memory_space<hbm>>
    %dma_wait3A_36 = arith.constant 0 : i32
    %dma_wait3A_37 = arith.constant 0 : i32
    %dma_wait3A_38 = tpu.memref_slice %arg7[%dma_wait3A_27, %dma_wait3A_36, %dma_wait3A_37] : memref<2x128x128xf32, #tpu.memory_space<vmem>> -> memref<1x128x128xf32, #tpu.memory_space<vmem>>
    %dma_wait3A_39 = tpu.memref_squeeze %dma_wait3A_38 : memref<1x128x128xf32, #tpu.memory_space<vmem>> -> memref<128x128xf32, #tpu.memory_space<vmem>>
    tpu.wait_dma2 semaphore(%arg11 : memref<!tpu.dma_semaphore, #tpu.memory_space<semaphore_mem>>) src(%dma_wait3A_39 : memref<128x128xf32, #tpu.memory_space<vmem>>) dst(%dma_wait3A_35 : memref<128x128xf32, #tpu.memory_space<hbm>>)
    return
  }
}

module attributes {stable_mosaic.version = 14 : i64} {
  func.func @_mlp_body(%arg0: i32, %arg1: memref<6400x128xf32, #tpu.memory_space<vmem>>, %arg2: memref<6400x128xf32, #tpu.memory_space<vmem>>, %arg3: memref<128x128xf32, #tpu.memory_space<vmem>>, %arg4: memref<128x128xf32, #tpu.memory_space<vmem>>, %arg5: memref<1x128xf32, #tpu.memory_space<vmem>>, %arg6: memref<1x128xf32, #tpu.memory_space<vmem>>, %arg7: memref<1x1xf32, #tpu.memory_space<smem>>, %arg8: memref<1x50x128xf32, #tpu.memory_space<vmem>>) attributes {dimension_semantics = [#tpu.dimension_semantics<arbitrary>], iteration_bounds = array<i64: 20>, scalar_prefetch = 0 : i64, scratch_operands = 0 : i64, tpu.core_type = #tpu.core_type<tc>, window_params = [{transform_indices = @transform_0, window_bounds = array<i64: 6400, 128>}, {transform_indices = @transform_1, window_bounds = array<i64: 6400, 128>}, {pipeline_mode = #tpu.pipeline_mode<synchronous>, transform_indices = @transform_2, window_bounds = array<i64: 128, 128>}, {pipeline_mode = #tpu.pipeline_mode<synchronous>, transform_indices = @transform_3, window_bounds = array<i64: 128, 128>}, {pipeline_mode = #tpu.pipeline_mode<synchronous>, transform_indices = @transform_4, window_bounds = array<i64: 1, 128>}, {pipeline_mode = #tpu.pipeline_mode<synchronous>, transform_indices = @transform_5, window_bounds = array<i64: 1, 128>}, {transform_indices = @transform_6, window_bounds = array<i64: 1, 1>}, {transform_indices = @transform_7, window_bounds = array<i64: 1, 50, 128>}]} {
    %get3A = arith.constant 0 : index
    %get3A_0 = arith.constant 0 : index
    %get3A_1 = vector.load %arg1[%get3A, %get3A_0] : memref<6400x128xf32, #tpu.memory_space<vmem>>, vector<6400x128xf32>
    %get3A_2 = arith.constant 0 : index
    %get3A_3 = arith.constant 0 : index
    %get3A_4 = vector.load %arg2[%get3A_2, %get3A_3] : memref<6400x128xf32, #tpu.memory_space<vmem>>, vector<6400x128xf32>
    %add3A = arith.addf %get3A_1, %get3A_4 : vector<6400x128xf32>
    %mul3A = arith.constant 5.000000e-01 : f32
    %mul3A_5 = vector.broadcast %mul3A : f32 to vector<6400x128xf32>
    %mul3A_6 = arith.mulf %add3A, %mul3A_5 : vector<6400x128xf32>
    %sub3A = arith.subf %get3A_1, %get3A_4 : vector<6400x128xf32>
    %mul3A_7 = arith.mulf %sub3A, %sub3A : vector<6400x128xf32>
    %get3A_8 = arith.constant 0 : index
    %get3A_9 = arith.constant 0 : index
    %get3A_10 = vector.load %arg3[%get3A_8, %get3A_9] : memref<128x128xf32, #tpu.memory_space<vmem>>, vector<128x128xf32>
    %dot_general3A = arith.constant dense<0.000000e+00> : vector<6400x128xf32>
    %dot_general3A_11 = tpu.matmul %mul3A_6, %get3A_10, %dot_general3A {dimension_numbers = #tpu.dot_dimension_numbers<[1], [1], [0], [0], [0, 0, 1, 0], [], []>, transpose_lhs_hint = false} : vector<6400x128xf32>, vector<128x128xf32>, vector<6400x128xf32> -> vector<6400x128xf32>
    %get3A_12 = arith.constant 0 : index
    %get3A_13 = arith.constant 0 : index
    %get3A_14 = vector.load %arg4[%get3A_12, %get3A_13] : memref<128x128xf32, #tpu.memory_space<vmem>>, vector<128x128xf32>
    %dot_general3A_15 = arith.constant dense<0.000000e+00> : vector<6400x128xf32>
    %dot_general3A_16 = tpu.matmul %mul3A_7, %get3A_14, %dot_general3A_15 {dimension_numbers = #tpu.dot_dimension_numbers<[1], [1], [0], [0], [0, 0, 1, 0], [], []>, transpose_lhs_hint = false} : vector<6400x128xf32>, vector<128x128xf32>, vector<6400x128xf32> -> vector<6400x128xf32>
    %add3A_17 = arith.addf %dot_general3A_11, %dot_general3A_16 : vector<6400x128xf32>
    %get3A_18 = arith.constant 0 : index
    %get3A_19 = arith.constant 0 : index
    %get3A_20 = vector.load %arg5[%get3A_18, %get3A_19] : memref<1x128xf32, #tpu.memory_space<vmem>>, vector<1x128xf32>
    %add3A_21 = vector.broadcast %get3A_20 : vector<1x128xf32> to vector<6400x128xf32>
    %add3A_22 = arith.addf %add3A_17, %add3A_21 : vector<6400x128xf32>
    %max3A = arith.constant 0.000000e+00 : f32
    %max3A_23 = vector.broadcast %max3A : f32 to vector<6400x128xf32>
    %max3A_24 = arith.maximumf %add3A_22, %max3A_23 : vector<6400x128xf32>
    %get3A_25 = arith.constant 0 : index
    %get3A_26 = arith.constant 0 : index
    %get3A_27 = vector.load %arg6[%get3A_25, %get3A_26] : memref<1x128xf32, #tpu.memory_space<vmem>>, vector<1x128xf32>
    %mul3A_28 = vector.broadcast %get3A_27 : vector<1x128xf32> to vector<6400x128xf32>
    %mul3A_29 = arith.mulf %max3A_24, %mul3A_28 : vector<6400x128xf32>
    %reduce_sum3A = arith.constant dense<0.000000e+00> : vector<6400xf32>
    %reduce_sum3A_30 = vector.multi_reduction <add>, %mul3A_29, %reduce_sum3A [1] : vector<6400x128xf32> to vector<6400xf32>
    %get3A_31 = arith.constant 0 : index
    %get3A_32 = arith.constant 0 : index
    %get3A_33 = memref.load %arg7[%get3A_31, %get3A_32] : memref<1x1xf32, #tpu.memory_space<smem>>
    %add3A_34 = vector.broadcast %get3A_33 : f32 to vector<6400xf32>
    %add3A_35 = arith.addf %reduce_sum3A_30, %add3A_34 : vector<6400xf32>
    %logistic3A = arith.negf %add3A_35 : vector<6400xf32>
    %logistic3A_36 = math.exp %logistic3A : vector<6400xf32>
    %logistic3A_37 = arith.constant 1.000000e+00 : f32
    %logistic3A_38 = vector.broadcast %logistic3A_37 : f32 to vector<6400xf32>
    %logistic3A_39 = arith.addf %logistic3A_38, %logistic3A_36 : vector<6400xf32>
    %logistic3A_40 = arith.divf %logistic3A_38, %logistic3A_39 : vector<6400xf32>
    %reshape3A = vector.shape_cast %logistic3A_40 : vector<6400xf32> to vector<1x50x128xf32>
    %swap3A = arith.constant 0 : index
    %swap3A_41 = arith.constant 0 : index
    %swap3A_42 = arith.constant 0 : index
    %swap3A_43 = vector.load %arg8[%swap3A, %swap3A_41, %swap3A_42] : memref<1x50x128xf32, #tpu.memory_space<vmem>>, vector<1x50x128xf32>
    tpu.vector_store %arg8[%swap3A, %swap3A_41, %swap3A_42], %reshape3A {strides = array<i32>} : memref<1x50x128xf32, #tpu.memory_space<vmem>>, vector<1x50x128xf32>,
    return
  }
  func.func @transform_0(%arg0: i32) -> (i32, i32) {
    %c0_i32 = arith.constant 0 : i32
    %c0_i32_0 = arith.constant 0 : i32
    return %arg0, %c0_i32 : i32, i32
  }
  func.func @transform_1(%arg0: i32) -> (i32, i32) {
    %add3A = arith.constant 20 : i32
    %add3A_0 = arith.addi %arg0, %add3A : i32
    %c0_i32 = arith.constant 0 : i32
    %c0_i32_1 = arith.constant 0 : i32
    return %add3A_0, %c0_i32 : i32, i32
  }
  func.func @transform_2(%arg0: i32) -> (i32, i32) {
    %c0_i32 = arith.constant 0 : i32
    %c0_i32_0 = arith.constant 0 : i32
    %c0_i32_1 = arith.constant 0 : i32
    return %c0_i32, %c0_i32_0 : i32, i32
  }
  func.func @transform_3(%arg0: i32) -> (i32, i32) {
    %c0_i32 = arith.constant 0 : i32
    %c0_i32_0 = arith.constant 0 : i32
    %c0_i32_1 = arith.constant 0 : i32
    return %c0_i32, %c0_i32_0 : i32, i32
  }
  func.func @transform_4(%arg0: i32) -> (i32, i32) {
    %c0_i32 = arith.constant 0 : i32
    %c0_i32_0 = arith.constant 0 : i32
    %c0_i32_1 = arith.constant 0 : i32
    return %c0_i32, %c0_i32_0 : i32, i32
  }
  func.func @transform_5(%arg0: i32) -> (i32, i32) {
    %c0_i32 = arith.constant 0 : i32
    %c0_i32_0 = arith.constant 0 : i32
    %c0_i32_1 = arith.constant 0 : i32
    return %c0_i32, %c0_i32_0 : i32, i32
  }
  func.func @transform_6(%arg0: i32) -> (i32, i32) {
    %c0_i32 = arith.constant 0 : i32
    %c0_i32_0 = arith.constant 0 : i32
    %c0_i32_1 = arith.constant 0 : i32
    return %c0_i32, %c0_i32_0 : i32, i32
  }
  func.func @transform_7(%arg0: i32) -> (i32, i32, i32) {
    %c0_i32 = arith.constant 0 : i32
    %c0_i32_0 = arith.constant 0 : i32
    %c0_i32_1 = arith.constant 0 : i32
    return %arg0, %c0_i32, %c0_i32_0 : i32, i32, i32
  }
}

module attributes {stable_mosaic.version = 14 : i64} {
  func.func @_mlp_body(%arg0: i32, %arg1: memref<6400x128xf32, #tpu.memory_space<vmem>>, %arg2: memref<6400x128xf32, #tpu.memory_space<vmem>>, %arg3: memref<128x128xf32, #tpu.memory_space<vmem>>, %arg4: memref<128x128xf32, #tpu.memory_space<vmem>>, %arg5: memref<1x128xf32, #tpu.memory_space<vmem>>, %arg6: memref<1x128xf32, #tpu.memory_space<vmem>>, %arg7: memref<1x1xf32, #tpu.memory_space<smem>>, %arg8: memref<1x50x128xf32, #tpu.memory_space<vmem>>) attributes {dimension_semantics = [#tpu.dimension_semantics<arbitrary>], iteration_bounds = array<i64: 15>, scalar_prefetch = 0 : i64, scratch_operands = 0 : i64, tpu.core_type = #tpu.core_type<tc>, window_params = [{transform_indices = @transform_0, window_bounds = array<i64: 6400, 128>}, {transform_indices = @transform_1, window_bounds = array<i64: 6400, 128>}, {pipeline_mode = #tpu.pipeline_mode<synchronous>, transform_indices = @transform_2, window_bounds = array<i64: 128, 128>}, {pipeline_mode = #tpu.pipeline_mode<synchronous>, transform_indices = @transform_3, window_bounds = array<i64: 128, 128>}, {pipeline_mode = #tpu.pipeline_mode<synchronous>, transform_indices = @transform_4, window_bounds = array<i64: 1, 128>}, {pipeline_mode = #tpu.pipeline_mode<synchronous>, transform_indices = @transform_5, window_bounds = array<i64: 1, 128>}, {transform_indices = @transform_6, window_bounds = array<i64: 1, 1>}, {transform_indices = @transform_7, window_bounds = array<i64: 1, 50, 128>}]} {
    %get3A = arith.constant 0 : index
    %get3A_0 = arith.constant 0 : index
    %get3A_1 = vector.load %arg1[%get3A, %get3A_0] : memref<6400x128xf32, #tpu.memory_space<vmem>>, vector<6400x128xf32>
    %get3A_2 = arith.constant 0 : index
    %get3A_3 = arith.constant 0 : index
    %get3A_4 = vector.load %arg2[%get3A_2, %get3A_3] : memref<6400x128xf32, #tpu.memory_space<vmem>>, vector<6400x128xf32>
    %add3A = arith.addf %get3A_1, %get3A_4 : vector<6400x128xf32>
    %mul3A = arith.constant 5.000000e-01 : f32
    %mul3A_5 = vector.broadcast %mul3A : f32 to vector<6400x128xf32>
    %mul3A_6 = arith.mulf %add3A, %mul3A_5 : vector<6400x128xf32>
    %sub3A = arith.subf %get3A_1, %get3A_4 : vector<6400x128xf32>
    %mul3A_7 = arith.mulf %sub3A, %sub3A : vector<6400x128xf32>
    %get3A_8 = arith.constant 0 : index
    %get3A_9 = arith.constant 0 : index
    %get3A_10 = vector.load %arg3[%get3A_8, %get3A_9] : memref<128x128xf32, #tpu.memory_space<vmem>>, vector<128x128xf32>
    %dot_general3A = arith.constant dense<0.000000e+00> : vector<6400x128xf32>
    %dot_general3A_11 = tpu.matmul %mul3A_6, %get3A_10, %dot_general3A {dimension_numbers = #tpu.dot_dimension_numbers<[1], [1], [0], [0], [0, 0, 1, 0], [], []>, transpose_lhs_hint = false} : vector<6400x128xf32>, vector<128x128xf32>, vector<6400x128xf32> -> vector<6400x128xf32>
    %get3A_12 = arith.constant 0 : index
    %get3A_13 = arith.constant 0 : index
    %get3A_14 = vector.load %arg4[%get3A_12, %get3A_13] : memref<128x128xf32, #tpu.memory_space<vmem>>, vector<128x128xf32>
    %dot_general3A_15 = arith.constant dense<0.000000e+00> : vector<6400x128xf32>
    %dot_general3A_16 = tpu.matmul %mul3A_7, %get3A_14, %dot_general3A_15 {dimension_numbers = #tpu.dot_dimension_numbers<[1], [1], [0], [0], [0, 0, 1, 0], [], []>, transpose_lhs_hint = false} : vector<6400x128xf32>, vector<128x128xf32>, vector<6400x128xf32> -> vector<6400x128xf32>
    %add3A_17 = arith.addf %dot_general3A_11, %dot_general3A_16 : vector<6400x128xf32>
    %get3A_18 = arith.constant 0 : index
    %get3A_19 = arith.constant 0 : index
    %get3A_20 = vector.load %arg5[%get3A_18, %get3A_19] : memref<1x128xf32, #tpu.memory_space<vmem>>, vector<1x128xf32>
    %add3A_21 = vector.broadcast %get3A_20 : vector<1x128xf32> to vector<6400x128xf32>
    %add3A_22 = arith.addf %add3A_17, %add3A_21 : vector<6400x128xf32>
    %max3A = arith.constant 0.000000e+00 : f32
    %max3A_23 = vector.broadcast %max3A : f32 to vector<6400x128xf32>
    %max3A_24 = arith.maximumf %add3A_22, %max3A_23 : vector<6400x128xf32>
    %get3A_25 = arith.constant 0 : index
    %get3A_26 = arith.constant 0 : index
    %get3A_27 = vector.load %arg6[%get3A_25, %get3A_26] : memref<1x128xf32, #tpu.memory_space<vmem>>, vector<1x128xf32>
    %mul3A_28 = vector.broadcast %get3A_27 : vector<1x128xf32> to vector<6400x128xf32>
    %mul3A_29 = arith.mulf %max3A_24, %mul3A_28 : vector<6400x128xf32>
    %reduce_sum3A = arith.constant dense<0.000000e+00> : vector<6400xf32>
    %reduce_sum3A_30 = vector.multi_reduction <add>, %mul3A_29, %reduce_sum3A [1] : vector<6400x128xf32> to vector<6400xf32>
    %get3A_31 = arith.constant 0 : index
    %get3A_32 = arith.constant 0 : index
    %get3A_33 = memref.load %arg7[%get3A_31, %get3A_32] : memref<1x1xf32, #tpu.memory_space<smem>>
    %add3A_34 = vector.broadcast %get3A_33 : f32 to vector<6400xf32>
    %add3A_35 = arith.addf %reduce_sum3A_30, %add3A_34 : vector<6400xf32>
    %logistic3A = arith.negf %add3A_35 : vector<6400xf32>
    %logistic3A_36 = math.exp %logistic3A : vector<6400xf32>
    %logistic3A_37 = arith.constant 1.000000e+00 : f32
    %logistic3A_38 = vector.broadcast %logistic3A_37 : f32 to vector<6400xf32>
    %logistic3A_39 = arith.addf %logistic3A_38, %logistic3A_36 : vector<6400xf32>
    %logistic3A_40 = arith.divf %logistic3A_38, %logistic3A_39 : vector<6400xf32>
    %reshape3A = vector.shape_cast %logistic3A_40 : vector<6400xf32> to vector<1x50x128xf32>
    %swap3A = arith.constant 0 : index
    %swap3A_41 = arith.constant 0 : index
    %swap3A_42 = arith.constant 0 : index
    %swap3A_43 = vector.load %arg8[%swap3A, %swap3A_41, %swap3A_42] : memref<1x50x128xf32, #tpu.memory_space<vmem>>, vector<1x50x128xf32>
    tpu.vector_store %arg8[%swap3A, %swap3A_41, %swap3A_42], %reshape3A {strides = array<i32>} : memref<1x50x128xf32, #tpu.memory_space<vmem>>, vector<1x50x128xf32>,
    return
  }
  func.func @transform_0(%arg0: i32) -> (i32, i32) {
    %c0_i32 = arith.constant 0 : i32
    %c0_i32_0 = arith.constant 0 : i32
    return %arg0, %c0_i32 : i32, i32
  }
  func.func @transform_1(%arg0: i32) -> (i32, i32) {
    %add3A = arith.constant 15 : i32
    %add3A_0 = arith.addi %arg0, %add3A : i32
    %c0_i32 = arith.constant 0 : i32
    %c0_i32_1 = arith.constant 0 : i32
    return %add3A_0, %c0_i32 : i32, i32
  }
  func.func @transform_2(%arg0: i32) -> (i32, i32) {
    %c0_i32 = arith.constant 0 : i32
    %c0_i32_0 = arith.constant 0 : i32
    %c0_i32_1 = arith.constant 0 : i32
    return %c0_i32, %c0_i32_0 : i32, i32
  }
  func.func @transform_3(%arg0: i32) -> (i32, i32) {
    %c0_i32 = arith.constant 0 : i32
    %c0_i32_0 = arith.constant 0 : i32
    %c0_i32_1 = arith.constant 0 : i32
    return %c0_i32, %c0_i32_0 : i32, i32
  }
  func.func @transform_4(%arg0: i32) -> (i32, i32) {
    %c0_i32 = arith.constant 0 : i32
    %c0_i32_0 = arith.constant 0 : i32
    %c0_i32_1 = arith.constant 0 : i32
    return %c0_i32, %c0_i32_0 : i32, i32
  }
  func.func @transform_5(%arg0: i32) -> (i32, i32) {
    %c0_i32 = arith.constant 0 : i32
    %c0_i32_0 = arith.constant 0 : i32
    %c0_i32_1 = arith.constant 0 : i32
    return %c0_i32, %c0_i32_0 : i32, i32
  }
  func.func @transform_6(%arg0: i32) -> (i32, i32) {
    %c0_i32 = arith.constant 0 : i32
    %c0_i32_0 = arith.constant 0 : i32
    %c0_i32_1 = arith.constant 0 : i32
    return %c0_i32, %c0_i32_0 : i32, i32
  }
  func.func @transform_7(%arg0: i32) -> (i32, i32, i32) {
    %c0_i32 = arith.constant 0 : i32
    %c0_i32_0 = arith.constant 0 : i32
    %c0_i32_1 = arith.constant 0 : i32
    return %arg0, %c0_i32, %c0_i32_0 : i32, i32, i32
  }
}

</mosaic_0001>

<sc_bundles>
// kernel: kernel.11.cloned.1.call-start
scs
__scs_entry_jumppad:
0x0: {  	(pc) =	sbr.rel $0x88, $3  }
0x1: {  	(tag) =	ssettag $0x0;
	lr =	simm.s32 $0x1  }
0x2: {  	[smem:$0x3F9B] =	sst lr;
	_ =	strace $0xD0000000  }
0x3: {  	_ = 	snop  }
0x4: {  	_ = 	snop  }
0x5: {  	_ = 	snop  }
0x6: {  	_ = 	snop  }
0x7: {  	_ = 	snop  }
__scs_overlays_trampoline_lowered:
0x8: {  	[smem:$0x3FAA] =	sst s0  }
0x9: {  	[smem:$0x3FAB] =	sst s1  }
0xa: {  	[smem:$0x3FAC] =	sst s2  }
0xb: {  	[smem:$0x3FAD] =	sst s3  }
0xc: {  	[smem:$0x3FAE] =	sst s4  }
0xd: {  	[smem:$0x3FAF] =	sst s5  }
0xe: {  	[smem:$0x3FB0] =	sst s6  }
0xf: {  	[smem:$0x3FB1] =	sst s7  }
0x10: {  	[smem:$0x3FB2] =	sst s8  }
0x11: {  	[smem:$0x3FB3] =	sst s9;
	s0 =	simm.s32 @!p0 $0x0  }
0x12: {  	s1 =	sld [smem:$0x3F99];
	s0 =	simm.s32 @p0 $0x1  }
0x13: {  	[smem:$0x3FB4] =	sst s0;
	s0 =	simm.s32 @!p1 $0x0  }
0x14: {  	s2 =	sld [smem:$0x3F98];
	s0 =	simm.s32 @p1 $0x1  }
0x15: {  	[smem:$0x3FB5] =	sst s0;
	s0 =	simm.s32 @!p2 $0x0  }
0x16: {  	s3 =	sld [smem:$0x3FDB];
	s0 =	simm.s32 @p2 $0x1  }
0x17: {  	s4 =	simm.s32 $0x1BF5;
	[smem:$0x3FB7] =	sst s0  }
0x18: {  	s0 =	sld [smem:$0x3F9A];
	_ =	swait.ge [sflag:s4], $0x0  }
0x19: {  	s7 =	sld [smem:$0x3F9B]  }
0x1a: {  	s8 =	sadd.s32 $0xFFFFE003, lr  }
0x1b: {  	s9 =	sadd.s32 $0xFFFFFEF7, lr;
	s5 =	simm.s32 $0xFFFFFFFF;
	p2 =	slt.u32 s8, $0xFFFFF086  }
0x1c: {  	p1 =	slt.u32 s9, $0xF7A;
	s5 =	simm.s32 @!p2 $0x0  }
0x1d: {  	s5 =	simm.s32 @p1 $0x1;
	p0 =	seq.s32 s7, s2  }
0x1e: {  	s7 =	smul.u32 @!p0 $0xF7A, s2;
	p2 =	seq.s32 @!p0 s5, $0x0  }
0x1f: {  	s9 =	smul.u32 $0xF7A, s1;
	s8 =	simm.s32 @!p0 $0x1BF5;
	p2 =	por !p2, p0  }
0x20: {  	[sflag:s8] =	ssyncset.s32 @!p0 $0xFFFFF086;
	s6 =	sadd.s32 @!p0 s3, s7;
	s7 =	simm.s32 @!p0 $0x108  }
0x21: {  	s3 =	sadd.s32 s3, s9;
	s6 =	sadd.s32 @!p0 $0x88, s6;
	s7 =	simm.s32 @p2 $0x1082  }
0x22: {  	[simem:s7], [sflag:s8] =	dma.local @!p0 [hbm:s6], $0xF7A  }
0x23: {  	s9 =	sor.u32 $0xD0000000, s2;
	s6 =	simm.s32 $0x108;
	_ =	swait.ge @!p0 [sflag:s8], $0x0  }
0x24: {  	s3 =	sadd.s32 $0x88, s3;
	s6 =	simm.s32 @!p1 $0x1082;
	[sflag:s4] =	ssyncset.s32 $0xFFFFF086  }
0x25: {  	[simem:s6], [sflag:s4] =	dma.local [hbm:s3], $0xF7A  }
0x26: {  	[smem:$0x3F9B] =	sst s1;
	(tag) =	ssettag s2;
	_ =	strace s9  }
0x27: {  	s1 =	sld [smem:$0x3FAB]  }
0x28: {  	s2 =	sld [smem:$0x3FAC]  }
0x29: {  	s4 =	sld [smem:$0x3FAE]  }
0x2a: {  	p0 =	seq.s32 s5, $0x0;
	s5 =	sld [smem:$0x3FAF]  }
0x2b: {  	s6 =	sld [smem:$0x3FB0]  }
0x2c: {  	s7 =	sld [smem:$0x3FB1]  }
0x2d: {  	s3 =	simm.s32 $0x108;
	s8 =	sld [smem:$0x3FB2]  }
0x2e: {  	s3 =	simm.s32 @!p0 $0x1082;
	s9 =	sld [smem:$0x3FB3]  }
0x2f: {  	lr =	sadd.s32 s0, s3;
	s0 =	sld [smem:$0x3FAA]  }
0x30: {  	s3 =	sld [smem:$0x3FAD]  }
0x31: {  	[smem:$0x3FB6] =	sst s10  }
0x32: {  	s10 =	sld [smem:$0x3FB4];
	_ =	sdelay $0x3  }
0x33: {  	p0 =	seq.s32 s10, $0x1;
	s10 =	sld [smem:$0x3FB6];
	_ =	sdelay $0x3  }
0x34: {  	[smem:$0x3FB6] =	sst s10  }
0x35: {  	s10 =	sld [smem:$0x3FB5];
	_ =	sdelay $0x3  }
0x36: {  	p1 =	seq.s32 s10, $0x1;
	s10 =	sld [smem:$0x3FB6];
	_ =	sdelay $0x3  }
0x37: {  	[smem:$0x3FB6] =	sst s10  }
0x38: {  	s10 =	sld [smem:$0x3FB7]  }
0x39: {  	_ = 	snop;
	(pc) =	sbr.ind lr, $3  }
0x3a: {  	_ = 	snop  }
0x3b: {  	_ = 	snop  }
0x3c: {  	p2 =	seq.s32 s10, $0x1;
	s10 =	sld [smem:$0x3FB6]  }
0x3d: {  	_ =	shalt  }
0x3e: {  	_ =	shalt  }
0x3f: {  	_ =	shalt  }
0x40: {  	_ =	shalt  }
0x41: {  	_ =	shalt  }
0x42: {  	_ =	shalt  }
0x43: {  	_ =	shalt  }
0x44: {  	_ =	shalt  }
0x45: {  	_ =	shalt  }
0x46: {  	_ =	shalt  }
0x47: {  	_ =	shalt  }
0x48: {  	_ =	shalt  }
0x49: {  	_ =	shalt  }
0x4a: {  	_ =	shalt  }
0x4b: {  	_ =	shalt  }
0x4c: {  	_ =	shalt  }
0x4d: {  	_ =	shalt  }
0x4e: {  	_ =	shalt  }
0x4f: {  	_ =	shalt  }
0x50: {  	_ =	shalt  }
0x51: {  	_ =	shalt  }
0x52: {  	_ =	shalt  }
0x53: {  	_ =	shalt  }
0x54: {  	_ =	shalt  }
0x55: {  	_ =	shalt  }
0x56: {  	_ =	shalt  }
0x57: {  	_ =	shalt  }
0x58: {  	_ =	shalt  }
0x59: {  	_ =	shalt  }
0x5a: {  	_ =	shalt  }
0x5b: {  	_ =	shalt  }
0x5c: {  	_ =	shalt  }
0x5d: {  	_ =	shalt  }
0x5e: {  	_ =	shalt  }
0x5f: {  	_ =	shalt  }
0x60: {  	_ =	shalt  }
0x61: {  	_ =	shalt  }
0x62: {  	_ =	shalt  }
0x63: {  	_ =	shalt  }
0x64: {  	_ =	shalt  }
0x65: {  	_ =	shalt  }
0x66: {  	_ =	shalt  }
0x67: {  	_ =	shalt  }
0x68: {  	_ =	shalt  }
0x69: {  	_ =	shalt  }
0x6a: {  	_ =	shalt  }
0x6b: {  	_ =	shalt  }
0x6c: {  	_ =	shalt  }
0x6d: {  	_ =	shalt  }
0x6e: {  	_ =	shalt  }
0x6f: {  	_ =	shalt  }
0x70: {  	_ =	shalt  }
0x71: {  	_ =	shalt  }
0x72: {  	_ =	shalt  }
0x73: {  	_ =	shalt  }
0x74: {  	_ =	shalt  }
0x75: {  	_ =	shalt  }
0x76: {  	_ =	shalt  }
0x77: {  	_ =	shalt  }
0x78: {  	_ =	shalt  }
0x79: {  	_ =	shalt  }
0x7a: {  	_ =	shalt  }
0x7b: {  	_ =	shalt  }
0x7c: {  	_ =	shalt  }
0x7d: {  	_ =	shalt  }
0x7e: {  	_ =	shalt  }
0x7f: {  	_ =	shalt  }
0x80: {  	_ =	shalt  }
0x81: {  	_ =	shalt  }
0x82: {  	_ =	shalt  }
0x83: {  	_ =	shalt  }
0x84: {  	_ =	shalt  }
0x85: {  	_ =	shalt  }
0x86: {  	_ =	shalt  }
0x87: {  	_ =	shalt  }
.Lfunc_end0:
.L_simem_size_0:
called_computation.1_lowered:
.L_overlay_start_0:
0x88: {  	s2 =	sld [smem:$0x3FD9]  }
0x89: {  	s3 =	sld [smem:$0x3FFE];
	_ =	sdelay $0x1  }
0x8a: {  	s1 =	srdreg.scid  }
0x8b: {  	s0 =	sand.u32 $0x1, s1  }
0x8c: {  	s17 =	sshll.u32 s0, $0xA;
	s2 =	sadd.s32 s3, s2  }
0x8d: {  	s2 =	sadd.s32 s2, s17  }
0x8e: {  	[smem:$0x3FC2] =	sst s2  }
0x8f: {  	_ = 	snop  }
0x90: {  	s2 =	sld [smem:$0x3FC9];
	(tm) =	ssettm $0x1  }
0x91: {  	s18 =	sld [smem:$0x3FFB];
	_ =	sdelay $0x3  }
0x92: {  	_ =	strace s18  }
0x93: {  	s3 =	sld [smem:$0x3FFC];
	_ =	sdelay $0x3  }
0x94: {  	_ =	strace s3  }
0x95: {  	s3 =	sld [smem:$0x3FFD];
	_ =	sdelay $0x3  }
0x96: {  	_ =	strace s3  }
0x97: {  	_ =	strace $0x8FFFFFFF  }
0x98: {  	s19 =	sld [smem:$0x3FDB];
	_ =	sdelay $0x1  }
0x99: {  	s4 =	simm.s32 $_scs_section_size  }
0x9a: {  	s5 =	simm.s32 $_size__tile_overlayer_lowered;
	s6 =	simm.s32 $_tile_overlayer_lowered  }
0x9b: {  	s22 =	simm.s32 $0x1BFF;
	s21 =	sshll.u32 s6, $0x1;
	s3 =	sadd.s32 s4, s19  }
0x9c: {  	s7 =	simm.s32 $0x0;
	s20 =	sshll.u32 s5, $0x1;
	s5 =	sadd.s32 s21, s3  }
0x9d: {  	[timem:s7], [sflag:s22] =	dma.local [hbm:s5], s20  }
0x9e: {  	_ =	swait.ge [sflag:s22], s20  }
0x9f: {  	s4 =	ssub.s32 $0x0, s20;
	[sflag:s22] =	ssyncset.done $0x0  }
0xa0: {  	[sflag:s22] =	ssyncadd.s32 s4;
	_ =	sdelay $0x1  }
0xa1: {  	s23 =	simm.s32 $0x1B8B  }
0xa2: {  	_ =	swait.ge [sflag:s23], $0x1  }
0xa3: {  	[sflag:s23] =	ssyncset.done $0x0  }
0xa4: {  	s25 =	simm.s32 $0x1B8E;
	s24 =	sld [smem:$0x3FFE];
	[sflag:s23] =	ssyncadd.s32 $0xFFFFFFFF  }
0xa5: {  	s26 =	simm.s32 $execute0_lowered;
	[smem:$0x3FD2] =	sst s25  }
0xa6: {  	s5 =	sshll.u32 s26, $0x1;
	_ =	strace $0x80000046;
	[dreg:$0x1] =	wrdreg $0xFFFFFFFF  }
0xa7: {  	s28 =	simm.s32 $_size_execute0_lowered;
	s3 =	sadd.s32 s3, s5;
	[dreg:$0x0] =	wrdreg $0x0  }
0xa8: {  	s5 =	sshll.u32 s28, $0x1;
	[dreg:$0x2] =	wrdreg s3  }
0xa9: {  	[dreg:$0x3] =	wrdreg s5  }
0xaa: {  	[dreg:$0x4] =	wrdreg $0xC0  }
0xab: {  	_ =	task [dreg:s7], $0x5FFFF  }
0xac: {  	[dreg:$0x1] =	wrdreg $0xFFFFFFFF  }
0xad: {  	[dreg:$0x0] =	wrdreg $0x60  }
0xae: {  	[dreg:$0x2] =	wrdreg s2  }
0xaf: {  	[dreg:$0x3] =	wrdreg s24  }
0xb0: {  	[dreg:$0x4] =	wrdreg $0x0  }
0xb1: {  	[dreg:$0x5] =	wrdreg $0xA  }
0xb2: {  	_ =	task.clear_ibuf [dreg:s7], $0x6FFFF;
	_ =	strace $0x90000046  }
0xb3: {  	s29 =	simm.s32 $0xA;
	_ =	strace $0x80000048  }
0xb4: {  	_ =	swait.ge [sflag:s29], $0x1  }
0xb5: {  	[sflag:s29] =	ssyncadd.s32 $0xFFFFFFFF  }
0xb6: {  	_ =	strace $0x90000048  }
0xb7: {  	_ =	sfence  }
0xb8: {  	s30 =	sld [smem:$0x0];
	_ =	sdelay $0x2  }
0xb9: {  	s31 =	sshll.u32 s1, $0xD;
	s1 =	sshrl.u32 s1, $0x2  }
0xba: {  	s3 =	sand.u32 $0x4000, s31;
	s1 =	sadd.s32 s1, s30  }
0xbb: {  	s0 =	sor.u32 s3, s0;
	s1 =	sshll.u32 s1, $0x11  }
0xbc: {  	s0 =	sor.u32 s1, s0  }
0xbd: {  	s0 =	sadd.s32 $0x8F2B, s0  }
0xbe: {  	[sflag:s0] =	ssyncadd.remote.s32 $0x1  }
0xbf: {  	_ =	sfence.sel $0xFFFF  }
0xc0: {  	[dreg:$0x0] =	wrdreg $0xFFFFFFFF;
	(pc) =	sbr.abs _section_cstart, $3  }
0xc1: {  	[dreg:$0x1] =	wrdreg $0xFFFFFFFF  }
0xc2: {  	_ =	task.clear_ibuf [dreg:s7], $0x2FFFF;
	_ =	strace $0x9FFFFFFF  }
0xc3: {  	(tm) =	ssettm $0x7FFFFFFF  }
tec
execute0_lowered:
.L_overlay_start_1:
0x0: {  	(tag) =	ssettag $0x1  }
0x1: {  	s0 =	rddreg [dreg:$0x0]  }
0x2: {  	s4 =	rddreg [dreg:$0x1];
	s1 =	srdreg.scid  }
0x3: {  	s10 =	stileid.u32;
	s2 =	rddreg [dreg:$0x2]  }
0x4: {  	s3 =	simm.s32 $0x0;
	s14 =	simm.s32 $0x15080;
	s15 =	simm.s32 $0x1  }
0x5: {  	s16 =	simm.s32 $0x13900;
	s17 =	simm.s32 $0x19080;
	s18 =	simm.s32 $0x2  }
0x6: {  	s19 =	simm.s32 $0x3;
	s20 =	simm.s32 $0x4;
	s13 =	smul.u32 $0x180000, s10  }
0x7: {  	s21 =	simm.s32 $0x0;
	s7 =	sand.u32 $0x1, s1;
	s28 =	smul.u32 $0x30000, s10  }
0x8: {  	s5 =	sshll.u32 s10, $0x1;
	s1 =	rddreg [dreg:$0x3];
	s25 =	smul.u32 $0xC0000, s7  }
0x9: {  	[smem:$0x7FF] =	sst s3;
	s5 =	sor.u32 s7, s5;
	s29 =	smul.u32 $0x18000, s7  }
0xa: {  	s12 =	sadd.s32 $0xD200, s4;
	p0 =	sne.s32 s10, $0x0;
	s6 =	smul.u32 $0x300, s5  }
0xb: {  	_ =	strace $0x80000047;
	s9 =	ssub.s32 $0x2, s7;
	s8 =	smul.u32 $0xC0000, s5  }
0xc: {  	s10 =	sshrl.u32 @!p0 s2, $0x3;
	s11 =	smul.u32 $0x18000, s5;
	s23 =	sshrl.u32 s9, $0x1  }
0xd: {  	s24 =	ssub.s32 s9, s23;
	s9 =	sadd.s32 s25, s13;
	s13 =	simm.s32 $0x80  }
0xe: {  	s6 =	sadd.s32 s6, s4;
	s5 =	smax.u32 s24, $0x1;
	s26 =	sshrl.u32 s8, $0x3  }
0xf: {  	s30 =	sadd.s32 s11, s12;
	s9 =	sor.u32 $0x8000, s9;
	s8 =	sadd.s32 s28, s12  }
0x10: {  	s11 =	simm.s32 $0x13880;
	s4 =	sadd.s32 $0x1200, s6;
	s6 =	sadd.s32 s12, s26  }
0x11: {  	s7 =	sadd.s32 $0x800, s30;
	s9 =	sshrl.u32 s9, $0x3;
	s31 =	sadd.s32 s29, s8  }
0x12: {  	s8 =	sadd.s32 s9, s12;
	s9 =	sadd.s32 $0x1800, s31;
	s12 =	simm.s32 $0x5  }
.LBB2_1:
0x13: {  	s22 =	simm.s32 @!p0 $0x1C05  }
0x14: {  	[spmem:s10], [sflag:s22] =	dma.local @!p0 [hbm:s0], $0x27100  }
0x15: {  	s22 =	simm.s32 @!p0 $0x5  }
0x16: {  	_ =	swait.ge @!p0 [sflag:s22], $0x27100  }
0x17: {  	[sflag:s22] =	ssyncset.done @!p0 $0x0  }
0x18: {  	[sflag:s22] =	ssyncadd.s32 @!p0 $0xFFFD8F00  }
0x19: {  	[tilespmem:s11], [sflag:$0x5] =	stream.linear.gather [hbm4b:s4+s3], $0x1800, $0x38;
	[tilespmem:$0x1D080] =	vst v63  }
0x1a: {  	_ =	swait.ge [sflag:s12], $0x1800  }
0x1b: {  	[sflag:s12] =	ssyncset.done $0x0  }
0x1c: {  	[sflag:s12] =	ssyncadd.s32 $0xFFFFE800  }
0x1d: {  	[bflag:$0x0] =	sbarrier.arrive $0xFFFF  }
0x1e: {  	[tilespmem:s14], [sflag:$0x1] =	stream.indirect.gather [spmem:s2], $0x80, s11, s13, $0xb8;
	[tilespmem:$0x1D080] =	vst v63  }
0x1f: {  	_ =	swait.ge [sflag:s15], $0x4000  }
0x20: {  	[sflag:s15] =	ssyncset.done $0x0  }
0x21: {  	[sflag:s15] =	ssyncadd.s32 $0xFFFFC000  }
0x22: {  	[hbm4b:s6+s3] =	stream.linear.scatter [tilespmem:s14], [sflag:$0x3], $0x4000, $0x38;
	[tilespmem:$0x1D080] =	vst v63  }
0x23: {  	_ = 	snop  }
0x24: {  	[tilespmem:s17], [sflag:$0x2] =	stream.indirect.gather [spmem:s2], $0x80, s16, s13, $0xb8;
	[tilespmem:$0x1D080] =	vst v63  }
0x25: {  	_ =	swait.ge [sflag:s18], $0x4000  }
0x26: {  	[sflag:s18] =	ssyncset.done $0x0  }
0x27: {  	[sflag:s18] =	ssyncadd.s32 $0xFFFFC000  }
0x28: {  	[hbm4b:s7+s3] =	stream.linear.scatter [tilespmem:s17], [sflag:$0x4], $0x4000, $0x38;
	[tilespmem:$0x1D080] =	vst v63  }
0x29: {  	_ =	swait.ge [sflag:s19], $0x4000  }
0x2a: {  	[sflag:s19] =	ssyncset.done $0x0  }
0x2b: {  	s29 =	simm.s32 $0x13980;
	[sflag:s19] =	ssyncadd.s32 $0xFFFFC000  }
0x2c: {  	[tilespmem:s14], [sflag:$0x1] =	stream.indirect.gather [spmem:s2], $0x80, s29, s13, $0xb8;
	[tilespmem:$0x1D080] =	vst v63  }
0x2d: {  	_ =	swait.ge [sflag:s15], $0x4000  }
0x2e: {  	[sflag:s15] =	ssyncset.done $0x0  }
0x2f: {  	s30 =	sadd.s32 $0x0, s8;
	[sflag:s15] =	ssyncadd.s32 $0xFFFFC000  }
0x30: {  	[hbm4b:s30+s3] =	stream.linear.scatter [tilespmem:s14], [sflag:$0x3], $0x4000, $0x38;
	[tilespmem:$0x1D080] =	vst v63  }
0x31: {  	_ =	swait.ge [sflag:s20], $0x4000  }
0x32: {  	[sflag:s20] =	ssyncset.done $0x0  }
0x33: {  	s31 =	simm.s32 $0x13A00;
	[sflag:s20] =	ssyncadd.s32 $0xFFFFC000  }
0x34: {  	[tilespmem:s17], [sflag:$0x2] =	stream.indirect.gather [spmem:s2], $0x80, s31, s13, $0xb8;
	[tilespmem:$0x1D080] =	vst v63  }
0x35: {  	_ =	swait.ge [sflag:s18], $0x4000  }
0x36: {  	s24 =	sadd.s32 $0x0, s9;
	[sflag:s18] =	ssyncset.done $0x0  }
0x37: {  	s23 =	simm.s32 $0x13B00;
	s22 =	simm.s32 $0x1000;
	[sflag:s18] =	ssyncadd.s32 $0xFFFFC000  }
.LBB2_2:
0x38: {  	[hbm4b:s24+s3] =	stream.linear.scatter [tilespmem:s17], [sflag:$0x4], $0x4000, $0x38;
	[tilespmem:$0x1D080] =	vst v63  }
0x39: {  	s24 =	smov.u32 s22  }
0x3a: {  	p1 =	sne.s32 s22, $0x16000;
	s22 =	sadd.s32 $0x1000, s22;
	_ =	swait.ge [sflag:s19], $0x4000  }
0x3b: {  	[sflag:s19] =	ssyncset.done $0x0  }
0x3c: {  	s25 =	sadd.s32 $0xFFFFFF80, s23;
	[sflag:s19] =	ssyncadd.s32 $0xFFFFC000  }
0x3d: {  	[tilespmem:s14], [sflag:$0x1] =	stream.indirect.gather [spmem:s2], $0x80, s25, s13, $0xb8;
	[tilespmem:$0x1D080] =	vst v63  }
0x3e: {  	_ =	swait.ge [sflag:s15], $0x4000  }
0x3f: {  	[sflag:s15] =	ssyncset.done $0x0  }
0x40: {  	s25 =	sadd.s32 s24, s8;
	[sflag:s15] =	ssyncadd.s32 $0xFFFFC000  }
0x41: {  	[hbm4b:s25+s3] =	stream.linear.scatter [tilespmem:s14], [sflag:$0x3], $0x4000, $0x38;
	[tilespmem:$0x1D080] =	vst v63  }
0x42: {  	_ =	swait.ge [sflag:s20], $0x4000  }
0x43: {  	[sflag:s20] =	ssyncset.done $0x0  }
.Ltmp0:
0x44: {  	[sflag:s20] =	ssyncadd.s32 $0xFFFFC000;
	(pc) =	sbr.rel @p1 .LBB2_2-.Ltmp0, $4  }
0x45: {  	[tilespmem:s17], [sflag:$0x2] =	stream.indirect.gather [spmem:s2], $0x80, s23, s13, $0xb8;
	[tilespmem:$0x1D080] =	vst v63  }
0x46: {  	_ =	swait.ge [sflag:s18], $0x4000  }
0x47: {  	[sflag:s18] =	ssyncset.done $0x0  }
0x48: {  	s24 =	sadd.s32 s24, s9;
	s23 =	sadd.s32 $0x100, s23;
	[sflag:s18] =	ssyncadd.s32 $0xFFFFC000  }
0x49: {  	[hbm4b:s24+s3] =	stream.linear.scatter [tilespmem:s17], [sflag:$0x4], $0x4000, $0x38;
	[tilespmem:$0x1D080] =	vst v63  }
0x4a: {  	s21 =	sadd.s32 $0x1, s21  }
0x4b: {  	_ =	swait.ge [sflag:s19], $0x4000;
	p1 =	sne.s32 s21, s5  }
.Ltmp1:
0x4c: {  	[sflag:s19] =	ssyncset.done $0x0;
	(pc) =	sbr.rel @p1 .LBB2_1-.Ltmp1, $4  }
0x4d: {  	[sflag:s19] =	ssyncadd.s32 $0xFFFFC000  }
0x4e: {  	_ =	swait.ge [sflag:s20], $0x4000  }
0x4f: {  	[sflag:s20] =	ssyncset.done $0x0  }
0x50: {  	[sflag:s20] =	ssyncadd.s32 $0xFFFFC000  }
0x51: {  	_ =	sfence.sel $0x180000  }
0x52: {  	[bflag:$0x0] =	sbarrier.arrive $0xFFFF  }
0x53: {  	_ =	strace $0x90000047  }
0x54: {  	s0 =	sadd.s32 @!p0 $0x100000, s1;
	[bflag:$0x2] =	sbarrier.arrive $0xFFFF  }
0x55: {  	[sflag:s0] =	ssyncadd.tile.s32 @!p0 $0x1;
	_ =	shalt  }
.Lfunc_end2:
_tile_overlayer_lowered:
.L_overlay_start_2:
0x56: {  	(tag) =	ssettag $0x2  }
0x57: {  	s0 =	rddreg [dreg:$0x0];
	s2 =	stileid.u32  }
0x58: {  	s1 =	rddreg [dreg:$0x1];
	p0 =	sne.s32 s2, $0x0  }
0x59: {  	s3 =	rddreg [dreg:$0x2];
	[bflag:$0x3] =	sbarrier.arrive $0xFFFF;
	s2 =	simm.s32 @!p0 $0x1C05  }
0x5a: {  	[timem:s3], [sflag:s2] =	dma.local @!p0 [hbm:s0], s1  }
0x5b: {  	s0 =	simm.s32 @!p0 $0x5  }
0x5c: {  	_ =	swait.ge @!p0 [sflag:s0], s1  }
0x5d: {  	s1 =	ssub.s32 @!p0 $0x0, s1;
	[sflag:s0] =	ssyncset.done @!p0 $0x0  }
0x5e: {  	[sflag:s0] =	ssyncadd.s32 @!p0 s1  }
0x5f: {  	[bflag:$0x3] =	sbarrier.arrive $0xFFFF  }
0x60: {  	_ =	shalt  }

// kernel: kernel.14.cloned.1.call-start
scs
__scs_entry_jumppad:
0x0: {  	(pc) =	sbr.rel $0x88, $3  }
0x1: {  	(tag) =	ssettag $0x0;
	lr =	simm.s32 $0x1  }
0x2: {  	[smem:$0x3F9B] =	sst lr;
	_ =	strace $0xD0000000  }
0x3: {  	_ = 	snop  }
0x4: {  	_ = 	snop  }
0x5: {  	_ = 	snop  }
0x6: {  	_ = 	snop  }
0x7: {  	_ = 	snop  }
__scs_overlays_trampoline_lowered:
0x8: {  	[smem:$0x3FAA] =	sst s0  }
0x9: {  	[smem:$0x3FAB] =	sst s1  }
0xa: {  	[smem:$0x3FAC] =	sst s2  }
0xb: {  	[smem:$0x3FAD] =	sst s3  }
0xc: {  	[smem:$0x3FAE] =	sst s4  }
0xd: {  	[smem:$0x3FAF] =	sst s5  }
0xe: {  	[smem:$0x3FB0] =	sst s6  }
0xf: {  	[smem:$0x3FB1] =	sst s7  }
0x10: {  	[smem:$0x3FB2] =	sst s8  }
0x11: {  	[smem:$0x3FB3] =	sst s9;
	s0 =	simm.s32 @!p0 $0x0  }
0x12: {  	s1 =	sld [smem:$0x3F99];
	s0 =	simm.s32 @p0 $0x1  }
0x13: {  	[smem:$0x3FB4] =	sst s0;
	s0 =	simm.s32 @!p1 $0x0  }
0x14: {  	s2 =	sld [smem:$0x3F98];
	s0 =	simm.s32 @p1 $0x1  }
0x15: {  	[smem:$0x3FB5] =	sst s0;
	s0 =	simm.s32 @!p2 $0x0  }
0x16: {  	s3 =	sld [smem:$0x3FDB];
	s0 =	simm.s32 @p2 $0x1  }
0x17: {  	s4 =	simm.s32 $0x1BF5;
	[smem:$0x3FB7] =	sst s0  }
0x18: {  	s0 =	sld [smem:$0x3F9A];
	_ =	swait.ge [sflag:s4], $0x0  }
0x19: {  	s7 =	sld [smem:$0x3F9B]  }
0x1a: {  	s8 =	sadd.s32 $0xFFFFE003, lr  }
0x1b: {  	s9 =	sadd.s32 $0xFFFFFEF7, lr;
	s5 =	simm.s32 $0xFFFFFFFF;
	p2 =	slt.u32 s8, $0xFFFFF086  }
0x1c: {  	p1 =	slt.u32 s9, $0xF7A;
	s5 =	simm.s32 @!p2 $0x0  }
0x1d: {  	s5 =	simm.s32 @p1 $0x1;
	p0 =	seq.s32 s7, s2  }
0x1e: {  	s7 =	smul.u32 @!p0 $0xF7A, s2;
	p2 =	seq.s32 @!p0 s5, $0x0  }
0x1f: {  	s9 =	smul.u32 $0xF7A, s1;
	s8 =	simm.s32 @!p0 $0x1BF5;
	p2 =	por !p2, p0  }
0x20: {  	[sflag:s8] =	ssyncset.s32 @!p0 $0xFFFFF086;
	s6 =	sadd.s32 @!p0 s3, s7;
	s7 =	simm.s32 @!p0 $0x108  }
0x21: {  	s3 =	sadd.s32 s3, s9;
	s6 =	sadd.s32 @!p0 $0x88, s6;
	s7 =	simm.s32 @p2 $0x1082  }
0x22: {  	[simem:s7], [sflag:s8] =	dma.local @!p0 [hbm:s6], $0xF7A  }
0x23: {  	s9 =	sor.u32 $0xD0000000, s2;
	s6 =	simm.s32 $0x108;
	_ =	swait.ge @!p0 [sflag:s8], $0x0  }
0x24: {  	s3 =	sadd.s32 $0x88, s3;
	s6 =	simm.s32 @!p1 $0x1082;
	[sflag:s4] =	ssyncset.s32 $0xFFFFF086  }
0x25: {  	[simem:s6], [sflag:s4] =	dma.local [hbm:s3], $0xF7A  }
0x26: {  	[smem:$0x3F9B] =	sst s1;
	(tag) =	ssettag s2;
	_ =	strace s9  }
0x27: {  	s1 =	sld [smem:$0x3FAB]  }
0x28: {  	s2 =	sld [smem:$0x3FAC]  }
0x29: {  	s4 =	sld [smem:$0x3FAE]  }
0x2a: {  	p0 =	seq.s32 s5, $0x0;
	s5 =	sld [smem:$0x3FAF]  }
0x2b: {  	s6 =	sld [smem:$0x3FB0]  }
0x2c: {  	s7 =	sld [smem:$0x3FB1]  }
0x2d: {  	s3 =	simm.s32 $0x108;
	s8 =	sld [smem:$0x3FB2]  }
0x2e: {  	s3 =	simm.s32 @!p0 $0x1082;
	s9 =	sld [smem:$0x3FB3]  }
0x2f: {  	lr =	sadd.s32 s0, s3;
	s0 =	sld [smem:$0x3FAA]  }
0x30: {  	s3 =	sld [smem:$0x3FAD]  }
0x31: {  	[smem:$0x3FB6] =	sst s10  }
0x32: {  	s10 =	sld [smem:$0x3FB4];
	_ =	sdelay $0x3  }
0x33: {  	p0 =	seq.s32 s10, $0x1;
	s10 =	sld [smem:$0x3FB6];
	_ =	sdelay $0x3  }
0x34: {  	[smem:$0x3FB6] =	sst s10  }
0x35: {  	s10 =	sld [smem:$0x3FB5];
	_ =	sdelay $0x3  }
0x36: {  	p1 =	seq.s32 s10, $0x1;
	s10 =	sld [smem:$0x3FB6];
	_ =	sdelay $0x3  }
0x37: {  	[smem:$0x3FB6] =	sst s10  }
0x38: {  	s10 =	sld [smem:$0x3FB7]  }
0x39: {  	_ = 	snop;
	(pc) =	sbr.ind lr, $3  }
0x3a: {  	_ = 	snop  }
0x3b: {  	_ = 	snop  }
0x3c: {  	p2 =	seq.s32 s10, $0x1;
	s10 =	sld [smem:$0x3FB6]  }
0x3d: {  	_ =	shalt  }
0x3e: {  	_ =	shalt  }
0x3f: {  	_ =	shalt  }
0x40: {  	_ =	shalt  }
0x41: {  	_ =	shalt  }
0x42: {  	_ =	shalt  }
0x43: {  	_ =	shalt  }
0x44: {  	_ =	shalt  }
0x45: {  	_ =	shalt  }
0x46: {  	_ =	shalt  }
0x47: {  	_ =	shalt  }
0x48: {  	_ =	shalt  }
0x49: {  	_ =	shalt  }
0x4a: {  	_ =	shalt  }
0x4b: {  	_ =	shalt  }
0x4c: {  	_ =	shalt  }
0x4d: {  	_ =	shalt  }
0x4e: {  	_ =	shalt  }
0x4f: {  	_ =	shalt  }
0x50: {  	_ =	shalt  }
0x51: {  	_ =	shalt  }
0x52: {  	_ =	shalt  }
0x53: {  	_ =	shalt  }
0x54: {  	_ =	shalt  }
0x55: {  	_ =	shalt  }
0x56: {  	_ =	shalt  }
0x57: {  	_ =	shalt  }
0x58: {  	_ =	shalt  }
0x59: {  	_ =	shalt  }
0x5a: {  	_ =	shalt  }
0x5b: {  	_ =	shalt  }
0x5c: {  	_ =	shalt  }
0x5d: {  	_ =	shalt  }
0x5e: {  	_ =	shalt  }
0x5f: {  	_ =	shalt  }
0x60: {  	_ =	shalt  }
0x61: {  	_ =	shalt  }
0x62: {  	_ =	shalt  }
0x63: {  	_ =	shalt  }
0x64: {  	_ =	shalt  }
0x65: {  	_ =	shalt  }
0x66: {  	_ =	shalt  }
0x67: {  	_ =	shalt  }
0x68: {  	_ =	shalt  }
0x69: {  	_ =	shalt  }
0x6a: {  	_ =	shalt  }
0x6b: {  	_ =	shalt  }
0x6c: {  	_ =	shalt  }
0x6d: {  	_ =	shalt  }
0x6e: {  	_ =	shalt  }
0x6f: {  	_ =	shalt  }
0x70: {  	_ =	shalt  }
0x71: {  	_ =	shalt  }
0x72: {  	_ =	shalt  }
0x73: {  	_ =	shalt  }
0x74: {  	_ =	shalt  }
0x75: {  	_ =	shalt  }
0x76: {  	_ =	shalt  }
0x77: {  	_ =	shalt  }
0x78: {  	_ =	shalt  }
0x79: {  	_ =	shalt  }
0x7a: {  	_ =	shalt  }
0x7b: {  	_ =	shalt  }
0x7c: {  	_ =	shalt  }
0x7d: {  	_ =	shalt  }
0x7e: {  	_ =	shalt  }
0x7f: {  	_ =	shalt  }
0x80: {  	_ =	shalt  }
0x81: {  	_ =	shalt  }
0x82: {  	_ =	shalt  }
0x83: {  	_ =	shalt  }
0x84: {  	_ =	shalt  }
0x85: {  	_ =	shalt  }
0x86: {  	_ =	shalt  }
0x87: {  	_ =	shalt  }
.Lfunc_end0:
.L_simem_size_0:
called_computation.2_lowered:
.L_overlay_start_0:
0x88: {  	s2 =	sld [smem:$0x3FD9]  }
0x89: {  	s3 =	sld [smem:$0x3FFE];
	_ =	sdelay $0x1  }
0x8a: {  	s1 =	srdreg.scid  }
0x8b: {  	s0 =	sand.u32 $0x1, s1  }
0x8c: {  	s17 =	sshll.u32 s0, $0xA;
	s2 =	sadd.s32 s3, s2  }
0x8d: {  	s2 =	sadd.s32 s2, s17  }
0x8e: {  	[smem:$0x3FC2] =	sst s2  }
0x8f: {  	_ = 	snop  }
0x90: {  	s18 =	sld [smem:$0x3FC9];
	(tm) =	ssettm $0x1  }
0x91: {  	s19 =	sld [smem:$0x3FFB];
	_ =	sdelay $0x3  }
0x92: {  	_ =	strace s19  }
0x93: {  	s2 =	sld [smem:$0x3FFC];
	_ =	sdelay $0x3  }
0x94: {  	_ =	strace s2  }
0x95: {  	s2 =	sld [smem:$0x3FFD];
	_ =	sdelay $0x3  }
0x96: {  	_ =	strace s2  }
0x97: {  	_ =	strace $0x8FFFFFFF  }
0x98: {  	s20 =	sld [smem:$0x3FDB];
	_ =	sdelay $0x1  }
0x99: {  	s4 =	simm.s32 $_scs_section_size  }
0x9a: {  	s5 =	simm.s32 $_size__tile_overlayer_lowered;
	s6 =	simm.s32 $_tile_overlayer_lowered  }
0x9b: {  	s7 =	simm.s32 $0x1BFF;
	s21 =	sshll.u32 s6, $0x1;
	s4 =	sadd.s32 s4, s20  }
0x9c: {  	s22 =	simm.s32 $0x0;
	s5 =	sshll.u32 s5, $0x1;
	s6 =	sadd.s32 s21, s4  }
0x9d: {  	[timem:s22], [sflag:s7] =	dma.local [hbm:s6], s5  }
0x9e: {  	_ =	swait.ge [sflag:s7], s5  }
0x9f: {  	s5 =	ssub.s32 $0x0, s5;
	[sflag:s7] =	ssyncset.done $0x0  }
0xa0: {  	[sflag:s7] =	ssyncadd.s32 s5;
	_ =	sdelay $0x1  }
0xa1: {  	s23 =	simm.s32 $0x1B8B  }
0xa2: {  	_ =	swait.ge [sflag:s23], $0x1  }
0xa3: {  	[sflag:s23] =	ssyncset.done $0x0  }
0xa4: {  	[sflag:s23] =	ssyncadd.s32 $0xFFFFFFFF  }
0xa5: {  	s5 =	sld [smem:$0x0]  }
0xa6: {  	s6 =	sand.u32 $0xFFFFFFFE, s1  }
0xa7: {  	p0 =	sne.s32 s1, s6  }
0xa8: {  	s6 =	sshll.u32 @p0 s6, $0xE  }
0xa9: {  	s6 =	sadd.s32 @p0 $0x11B8D, s6;
	s7 =	sshll.u32 @p0 s5, $0x11  }
0xaa: {  	s6 =	sor.u32 @p0 s7, s6  }
0xab: {  	[sflag:s6] =	ssyncadd.remote.s32 @p0 $0x1;
	_ =	sdelay $0x1  }
0xac: {  	s6 =	simm.s32 @p0 $0x1B8D  }
0xad: {  	_ =	swait.eq @p0 [sflag:s6], $0x1  }
0xae: {  	[sflag:s6] =	ssyncadd.s32 @p0 $0xFFFFFFFF  }
0xaf: {  	s7 =	sshll.u32 @!p0 s1, $0xE  }
0xb0: {  	s7 =	sor.u32 @!p0 $0x4000, s7;
	s6 =	simm.s32 @!p0 $0x1B8D  }
0xb1: {  	s5 =	sshll.u32 @!p0 s5, $0x11;
	s7 =	sadd.s32 @!p0 $0x11B8D, s7;
	_ =	swait.eq @!p0 [sflag:s6], $0x1  }
0xb2: {  	s5 =	sor.u32 @!p0 s5, s7;
	[sflag:s6] =	ssyncadd.s32 @!p0 $0xFFFFFFFF  }
0xb3: {  	s25 =	simm.s32 $0x1B8E;
	s24 =	sld [smem:$0x3FFE];
	[sflag:s5] =	ssyncadd.remote.s32 @!p0 $0x1  }
0xb4: {  	s26 =	simm.s32 $execute0_lowered;
	[smem:$0x3FD2] =	sst s25  }
0xb5: {  	s6 =	sshll.u32 s26, $0x1;
	_ =	strace $0x80000049;
	[dreg:$0x1] =	wrdreg $0xFFFFFFFF  }
0xb6: {  	s28 =	simm.s32 $_size_execute0_lowered;
	s4 =	sadd.s32 s4, s6;
	[dreg:$0x0] =	wrdreg $0x0  }
0xb7: {  	s6 =	sshll.u32 s28, $0x1;
	[dreg:$0x2] =	wrdreg s4  }
0xb8: {  	[dreg:$0x3] =	wrdreg s6  }
0xb9: {  	[dreg:$0x4] =	wrdreg $0xC0  }
0xba: {  	_ =	task [dreg:s22], $0x5FFFF  }
0xbb: {  	[dreg:$0x1] =	wrdreg $0xFFFFFFFF  }
0xbc: {  	[dreg:$0x0] =	wrdreg $0x60  }
0xbd: {  	[dreg:$0x2] =	wrdreg s18  }
0xbe: {  	[dreg:$0x3] =	wrdreg s24  }
0xbf: {  	[dreg:$0x4] =	wrdreg $0x0  }
0xc0: {  	[dreg:$0x5] =	wrdreg $0xB  }
0xc1: {  	_ =	task.clear_ibuf [dreg:s22], $0x6FFFF;
	_ =	strace $0x90000049  }
0xc2: {  	s29 =	simm.s32 $0xB;
	_ =	strace $0x8000004B  }
0xc3: {  	_ =	swait.ge [sflag:s29], $0x1  }
0xc4: {  	[sflag:s29] =	ssyncadd.s32 $0xFFFFFFFF  }
0xc5: {  	_ =	strace $0x9000004B  }
0xc6: {  	_ =	sfence  }
0xc7: {  	s30 =	sld [smem:$0x0];
	_ =	sdelay $0x2  }
0xc8: {  	s31 =	sshll.u32 s1, $0xD;
	s1 =	sshrl.u32 s1, $0x2  }
0xc9: {  	s4 =	sand.u32 $0x4000, s31;
	s1 =	sadd.s32 s1, s30  }
0xca: {  	s0 =	sor.u32 s4, s0;
	s1 =	sshll.u32 s1, $0x11  }
0xcb: {  	s0 =	sor.u32 s1, s0  }
0xcc: {  	s0 =	sadd.s32 $0x8F2B, s0  }
0xcd: {  	[sflag:s0] =	ssyncadd.remote.s32 $0x1  }
0xce: {  	_ =	sfence.sel $0xFFFF  }
0xcf: {  	[dreg:$0x0] =	wrdreg $0xFFFFFFFF;
	(pc) =	sbr.abs _section_cstart, $3  }
0xd0: {  	[dreg:$0x1] =	wrdreg $0xFFFFFFFF  }
0xd1: {  	_ =	task.clear_ibuf [dreg:s22], $0x2FFFF;
	_ =	strace $0x9FFFFFFF  }
0xd2: {  	(tm) =	ssettm $0x7FFFFFFF  }
0xd3: {  	_ =	shalt  }
tec
execute0_lowered:
.L_overlay_start_1:
0x0: {  	(tag) =	ssettag $0x1  }
0x1: {  	s0 =	rddreg [dreg:$0x0]  }
0x2: {  	s4 =	rddreg [dreg:$0x1];
	s1 =	srdreg.scid  }
0x3: {  	s10 =	stileid.u32;
	s2 =	rddreg [dreg:$0x2]  }
0x4: {  	s3 =	simm.s32 $0x0;
	s14 =	simm.s32 $0x15080;
	s15 =	simm.s32 $0x1  }
0x5: {  	s16 =	simm.s32 $0x13900;
	s17 =	simm.s32 $0x19080;
	s18 =	simm.s32 $0x2  }
0x6: {  	s19 =	simm.s32 $0x3;
	s20 =	simm.s32 $0x4;
	s13 =	smul.u32 $0x180000, s10  }
0x7: {  	s21 =	simm.s32 $0x0;
	s7 =	sand.u32 $0x1, s1;
	s28 =	smul.u32 $0x30000, s10  }
0x8: {  	s5 =	sshll.u32 s10, $0x1;
	s1 =	rddreg [dreg:$0x3];
	s25 =	smul.u32 $0xC0000, s7  }
0x9: {  	[smem:$0x7FF] =	sst s3;
	s5 =	sor.u32 s7, s5;
	s29 =	smul.u32 $0x18000, s7  }
0xa: {  	s12 =	sadd.s32 $0x30D200, s4;
	p0 =	sne.s32 s10, $0x0;
	s6 =	smul.u32 $0x300, s5  }
0xb: {  	_ =	strace $0x8000004A;
	s9 =	ssub.s32 $0x2, s7;
	s8 =	smul.u32 $0xC0000, s5  }
0xc: {  	s10 =	sshrl.u32 @!p0 s2, $0x3;
	s11 =	smul.u32 $0x18000, s5;
	s23 =	sshrl.u32 s9, $0x1  }
0xd: {  	s24 =	ssub.s32 s9, s23;
	s9 =	sadd.s32 s25, s13;
	s13 =	simm.s32 $0x80  }
0xe: {  	s6 =	sadd.s32 s6, s4;
	s5 =	smax.u32 s24, $0x1;
	s26 =	sshrl.u32 s8, $0x3  }
0xf: {  	s30 =	sadd.s32 s11, s12;
	s9 =	sor.u32 $0x8000, s9;
	s8 =	sadd.s32 s28, s12  }
0x10: {  	s11 =	simm.s32 $0x13880;
	s4 =	sadd.s32 $0x7200, s6;
	s6 =	sadd.s32 s12, s26  }
0x11: {  	s7 =	sadd.s32 $0x800, s30;
	s9 =	sshrl.u32 s9, $0x3;
	s31 =	sadd.s32 s29, s8  }
0x12: {  	s8 =	sadd.s32 s9, s12;
	s9 =	sadd.s32 $0x1800, s31;
	s12 =	simm.s32 $0x5  }
.LBB2_1:
0x13: {  	s22 =	simm.s32 @!p0 $0x1C05  }
0x14: {  	[spmem:s10], [sflag:s22] =	dma.local @!p0 [hbm:s0], $0x27100  }
0x15: {  	s22 =	simm.s32 @!p0 $0x5  }
0x16: {  	_ =	swait.ge @!p0 [sflag:s22], $0x27100  }
0x17: {  	[sflag:s22] =	ssyncset.done @!p0 $0x0  }
0x18: {  	[sflag:s22] =	ssyncadd.s32 @!p0 $0xFFFD8F00  }
0x19: {  	[tilespmem:s11], [sflag:$0x5] =	stream.linear.gather [hbm4b:s4+s3], $0x1800, $0x38;
	[tilespmem:$0x1D080] =	vst v63  }
0x1a: {  	_ =	swait.ge [sflag:s12], $0x1800  }
0x1b: {  	[sflag:s12] =	ssyncset.done $0x0  }
0x1c: {  	[sflag:s12] =	ssyncadd.s32 $0xFFFFE800  }
0x1d: {  	[bflag:$0x0] =	sbarrier.arrive $0xFFFF  }
0x1e: {  	[tilespmem:s14], [sflag:$0x1] =	stream.indirect.gather [spmem:s2], $0x80, s11, s13, $0xb8;
	[tilespmem:$0x1D080] =	vst v63  }
0x1f: {  	_ =	swait.ge [sflag:s15], $0x4000  }
0x20: {  	[sflag:s15] =	ssyncset.done $0x0  }
0x21: {  	[sflag:s15] =	ssyncadd.s32 $0xFFFFC000  }
0x22: {  	[hbm4b:s6+s3] =	stream.linear.scatter [tilespmem:s14], [sflag:$0x3], $0x4000, $0x38;
	[tilespmem:$0x1D080] =	vst v63  }
0x23: {  	_ = 	snop  }
0x24: {  	[tilespmem:s17], [sflag:$0x2] =	stream.indirect.gather [spmem:s2], $0x80, s16, s13, $0xb8;
	[tilespmem:$0x1D080] =	vst v63  }
0x25: {  	_ =	swait.ge [sflag:s18], $0x4000  }
0x26: {  	[sflag:s18] =	ssyncset.done $0x0  }
0x27: {  	[sflag:s18] =	ssyncadd.s32 $0xFFFFC000  }
0x28: {  	[hbm4b:s7+s3] =	stream.linear.scatter [tilespmem:s17], [sflag:$0x4], $0x4000, $0x38;
	[tilespmem:$0x1D080] =	vst v63  }
0x29: {  	_ =	swait.ge [sflag:s19], $0x4000  }
0x2a: {  	[sflag:s19] =	ssyncset.done $0x0  }
0x2b: {  	s29 =	simm.s32 $0x13980;
	[sflag:s19] =	ssyncadd.s32 $0xFFFFC000  }
0x2c: {  	[tilespmem:s14], [sflag:$0x1] =	stream.indirect.gather [spmem:s2], $0x80, s29, s13, $0xb8;
	[tilespmem:$0x1D080] =	vst v63  }
0x2d: {  	_ =	swait.ge [sflag:s15], $0x4000  }
0x2e: {  	[sflag:s15] =	ssyncset.done $0x0  }
0x2f: {  	s30 =	sadd.s32 $0x0, s8;
	[sflag:s15] =	ssyncadd.s32 $0xFFFFC000  }
0x30: {  	[hbm4b:s30+s3] =	stream.linear.scatter [tilespmem:s14], [sflag:$0x3], $0x4000, $0x38;
	[tilespmem:$0x1D080] =	vst v63  }
0x31: {  	_ =	swait.ge [sflag:s20], $0x4000  }
0x32: {  	[sflag:s20] =	ssyncset.done $0x0  }
0x33: {  	s31 =	simm.s32 $0x13A00;
	[sflag:s20] =	ssyncadd.s32 $0xFFFFC000  }
0x34: {  	[tilespmem:s17], [sflag:$0x2] =	stream.indirect.gather [spmem:s2], $0x80, s31, s13, $0xb8;
	[tilespmem:$0x1D080] =	vst v63  }
0x35: {  	_ =	swait.ge [sflag:s18], $0x4000  }
0x36: {  	s24 =	sadd.s32 $0x0, s9;
	[sflag:s18] =	ssyncset.done $0x0  }
0x37: {  	s23 =	simm.s32 $0x13B00;
	s22 =	simm.s32 $0x1000;
	[sflag:s18] =	ssyncadd.s32 $0xFFFFC000  }
.LBB2_2:
0x38: {  	[hbm4b:s24+s3] =	stream.linear.scatter [tilespmem:s17], [sflag:$0x4], $0x4000, $0x38;
	[tilespmem:$0x1D080] =	vst v63  }
0x39: {  	s24 =	smov.u32 s22  }
0x3a: {  	p1 =	sne.s32 s22, $0x16000;
	s22 =	sadd.s32 $0x1000, s22;
	_ =	swait.ge [sflag:s19], $0x4000  }
0x3b: {  	[sflag:s19] =	ssyncset.done $0x0  }
0x3c: {  	s25 =	sadd.s32 $0xFFFFFF80, s23;
	[sflag:s19] =	ssyncadd.s32 $0xFFFFC000  }
0x3d: {  	[tilespmem:s14], [sflag:$0x1] =	stream.indirect.gather [spmem:s2], $0x80, s25, s13, $0xb8;
	[tilespmem:$0x1D080] =	vst v63  }
0x3e: {  	_ =	swait.ge [sflag:s15], $0x4000  }
0x3f: {  	[sflag:s15] =	ssyncset.done $0x0  }
0x40: {  	s25 =	sadd.s32 s24, s8;
	[sflag:s15] =	ssyncadd.s32 $0xFFFFC000  }
0x41: {  	[hbm4b:s25+s3] =	stream.linear.scatter [tilespmem:s14], [sflag:$0x3], $0x4000, $0x38;
	[tilespmem:$0x1D080] =	vst v63  }
0x42: {  	_ =	swait.ge [sflag:s20], $0x4000  }
0x43: {  	[sflag:s20] =	ssyncset.done $0x0  }
.Ltmp0:
0x44: {  	[sflag:s20] =	ssyncadd.s32 $0xFFFFC000;
	(pc) =	sbr.rel @p1 .LBB2_2-.Ltmp0, $4  }
0x45: {  	[tilespmem:s17], [sflag:$0x2] =	stream.indirect.gather [spmem:s2], $0x80, s23, s13, $0xb8;
	[tilespmem:$0x1D080] =	vst v63  }
0x46: {  	_ =	swait.ge [sflag:s18], $0x4000  }
0x47: {  	[sflag:s18] =	ssyncset.done $0x0  }
0x48: {  	s24 =	sadd.s32 s24, s9;
	s23 =	sadd.s32 $0x100, s23;
	[sflag:s18] =	ssyncadd.s32 $0xFFFFC000  }
0x49: {  	[hbm4b:s24+s3] =	stream.linear.scatter [tilespmem:s17], [sflag:$0x4], $0x4000, $0x38;
	[tilespmem:$0x1D080] =	vst v63  }
0x4a: {  	s21 =	sadd.s32 $0x1, s21  }
0x4b: {  	_ =	swait.ge [sflag:s19], $0x4000;
	p1 =	sne.s32 s21, s5  }
.Ltmp1:
0x4c: {  	[sflag:s19] =	ssyncset.done $0x0;
	(pc) =	sbr.rel @p1 .LBB2_1-.Ltmp1, $4  }
0x4d: {  	[sflag:s19] =	ssyncadd.s32 $0xFFFFC000  }
0x4e: {  	_ =	swait.ge [sflag:s20], $0x4000  }
0x4f: {  	[sflag:s20] =	ssyncset.done $0x0  }
0x50: {  	[sflag:s20] =	ssyncadd.s32 $0xFFFFC000  }
0x51: {  	_ =	sfence.sel $0x180000  }
0x52: {  	[bflag:$0x0] =	sbarrier.arrive $0xFFFF  }
0x53: {  	_ =	strace $0x9000004A  }
0x54: {  	s0 =	sadd.s32 @!p0 $0x100000, s1;
	[bflag:$0x2] =	sbarrier.arrive $0xFFFF  }
0x55: {  	[sflag:s0] =	ssyncadd.tile.s32 @!p0 $0x1;
	_ =	shalt  }
.Lfunc_end2:
_tile_overlayer_lowered:
.L_overlay_start_2:
0x56: {  	(tag) =	ssettag $0x2  }
0x57: {  	s0 =	rddreg [dreg:$0x0];
	s2 =	stileid.u32  }
0x58: {  	s1 =	rddreg [dreg:$0x1];
	p0 =	sne.s32 s2, $0x0  }
0x59: {  	s3 =	rddreg [dreg:$0x2];
	[bflag:$0x3] =	sbarrier.arrive $0xFFFF;
	s2 =	simm.s32 @!p0 $0x1C05  }
0x5a: {  	[timem:s3], [sflag:s2] =	dma.local @!p0 [hbm:s0], s1  }
0x5b: {  	s0 =	simm.s32 @!p0 $0x5  }
0x5c: {  	_ =	swait.ge @!p0 [sflag:s0], s1  }
0x5d: {  	s1 =	ssub.s32 @!p0 $0x0, s1;
	[sflag:s0] =	ssyncset.done @!p0 $0x0  }
0x5e: {  	[sflag:s0] =	ssyncadd.s32 @!p0 s1  }
0x5f: {  	[bflag:$0x3] =	sbarrier.arrive $0xFFFF  }
0x60: {  	_ =	shalt  }

// kernel: kernel.8.cloned.1.call-start
scs
__scs_entry_jumppad:
0x0: {  	(pc) =	sbr.rel $0x88, $3  }
0x1: {  	(tag) =	ssettag $0x0;
	lr =	simm.s32 $0x1  }
0x2: {  	[smem:$0x3F9B] =	sst lr;
	_ =	strace $0xD0000000  }
0x3: {  	_ = 	snop  }
0x4: {  	_ = 	snop  }
0x5: {  	_ = 	snop  }
0x6: {  	_ = 	snop  }
0x7: {  	_ = 	snop  }
__scs_overlays_trampoline_lowered:
0x8: {  	[smem:$0x3FAA] =	sst s0  }
0x9: {  	[smem:$0x3FAB] =	sst s1  }
0xa: {  	[smem:$0x3FAC] =	sst s2  }
0xb: {  	[smem:$0x3FAD] =	sst s3  }
0xc: {  	[smem:$0x3FAE] =	sst s4  }
0xd: {  	[smem:$0x3FAF] =	sst s5  }
0xe: {  	[smem:$0x3FB0] =	sst s6  }
0xf: {  	[smem:$0x3FB1] =	sst s7  }
0x10: {  	[smem:$0x3FB2] =	sst s8  }
0x11: {  	[smem:$0x3FB3] =	sst s9;
	s0 =	simm.s32 @!p0 $0x0  }
0x12: {  	s1 =	sld [smem:$0x3F99];
	s0 =	simm.s32 @p0 $0x1  }
0x13: {  	[smem:$0x3FB4] =	sst s0;
	s0 =	simm.s32 @!p1 $0x0  }
0x14: {  	s2 =	sld [smem:$0x3F98];
	s0 =	simm.s32 @p1 $0x1  }
0x15: {  	[smem:$0x3FB5] =	sst s0;
	s0 =	simm.s32 @!p2 $0x0  }
0x16: {  	s3 =	sld [smem:$0x3FDB];
	s0 =	simm.s32 @p2 $0x1  }
0x17: {  	s4 =	simm.s32 $0x1BF5;
	[smem:$0x3FB7] =	sst s0  }
0x18: {  	s0 =	sld [smem:$0x3F9A];
	_ =	swait.ge [sflag:s4], $0x0  }
0x19: {  	s7 =	sld [smem:$0x3F9B]  }
0x1a: {  	s8 =	sadd.s32 $0xFFFFE003, lr  }
0x1b: {  	s9 =	sadd.s32 $0xFFFFFEF7, lr;
	s5 =	simm.s32 $0xFFFFFFFF;
	p2 =	slt.u32 s8, $0xFFFFF086  }
0x1c: {  	p1 =	slt.u32 s9, $0xF7A;
	s5 =	simm.s32 @!p2 $0x0  }
0x1d: {  	s5 =	simm.s32 @p1 $0x1;
	p0 =	seq.s32 s7, s2  }
0x1e: {  	s7 =	smul.u32 @!p0 $0xF7A, s2;
	p2 =	seq.s32 @!p0 s5, $0x0  }
0x1f: {  	s9 =	smul.u32 $0xF7A, s1;
	s8 =	simm.s32 @!p0 $0x1BF5;
	p2 =	por !p2, p0  }
0x20: {  	[sflag:s8] =	ssyncset.s32 @!p0 $0xFFFFF086;
	s6 =	sadd.s32 @!p0 s3, s7;
	s7 =	simm.s32 @!p0 $0x108  }
0x21: {  	s3 =	sadd.s32 s3, s9;
	s6 =	sadd.s32 @!p0 $0x88, s6;
	s7 =	simm.s32 @p2 $0x1082  }
0x22: {  	[simem:s7], [sflag:s8] =	dma.local @!p0 [hbm:s6], $0xF7A  }
0x23: {  	s9 =	sor.u32 $0xD0000000, s2;
	s6 =	simm.s32 $0x108;
	_ =	swait.ge @!p0 [sflag:s8], $0x0  }
0x24: {  	s3 =	sadd.s32 $0x88, s3;
	s6 =	simm.s32 @!p1 $0x1082;
	[sflag:s4] =	ssyncset.s32 $0xFFFFF086  }
0x25: {  	[simem:s6], [sflag:s4] =	dma.local [hbm:s3], $0xF7A  }
0x26: {  	[smem:$0x3F9B] =	sst s1;
	(tag) =	ssettag s2;
	_ =	strace s9  }
0x27: {  	s1 =	sld [smem:$0x3FAB]  }
0x28: {  	s2 =	sld [smem:$0x3FAC]  }
0x29: {  	s4 =	sld [smem:$0x3FAE]  }
0x2a: {  	p0 =	seq.s32 s5, $0x0;
	s5 =	sld [smem:$0x3FAF]  }
0x2b: {  	s6 =	sld [smem:$0x3FB0]  }
0x2c: {  	s7 =	sld [smem:$0x3FB1]  }
0x2d: {  	s3 =	simm.s32 $0x108;
	s8 =	sld [smem:$0x3FB2]  }
0x2e: {  	s3 =	simm.s32 @!p0 $0x1082;
	s9 =	sld [smem:$0x3FB3]  }
0x2f: {  	lr =	sadd.s32 s0, s3;
	s0 =	sld [smem:$0x3FAA]  }
0x30: {  	s3 =	sld [smem:$0x3FAD]  }
0x31: {  	[smem:$0x3FB6] =	sst s10  }
0x32: {  	s10 =	sld [smem:$0x3FB4];
	_ =	sdelay $0x3  }
0x33: {  	p0 =	seq.s32 s10, $0x1;
	s10 =	sld [smem:$0x3FB6];
	_ =	sdelay $0x3  }
0x34: {  	[smem:$0x3FB6] =	sst s10  }
0x35: {  	s10 =	sld [smem:$0x3FB5];
	_ =	sdelay $0x3  }
0x36: {  	p1 =	seq.s32 s10, $0x1;
	s10 =	sld [smem:$0x3FB6];
	_ =	sdelay $0x3  }
0x37: {  	[smem:$0x3FB6] =	sst s10  }
0x38: {  	s10 =	sld [smem:$0x3FB7]  }
0x39: {  	_ = 	snop;
	(pc) =	sbr.ind lr, $3  }
0x3a: {  	_ = 	snop  }
0x3b: {  	_ = 	snop  }
0x3c: {  	p2 =	seq.s32 s10, $0x1;
	s10 =	sld [smem:$0x3FB6]  }
0x3d: {  	_ =	shalt  }
0x3e: {  	_ =	shalt  }
0x3f: {  	_ =	shalt  }
0x40: {  	_ =	shalt  }
0x41: {  	_ =	shalt  }
0x42: {  	_ =	shalt  }
0x43: {  	_ =	shalt  }
0x44: {  	_ =	shalt  }
0x45: {  	_ =	shalt  }
0x46: {  	_ =	shalt  }
0x47: {  	_ =	shalt  }
0x48: {  	_ =	shalt  }
0x49: {  	_ =	shalt  }
0x4a: {  	_ =	shalt  }
0x4b: {  	_ =	shalt  }
0x4c: {  	_ =	shalt  }
0x4d: {  	_ =	shalt  }
0x4e: {  	_ =	shalt  }
0x4f: {  	_ =	shalt  }
0x50: {  	_ =	shalt  }
0x51: {  	_ =	shalt  }
0x52: {  	_ =	shalt  }
0x53: {  	_ =	shalt  }
0x54: {  	_ =	shalt  }
0x55: {  	_ =	shalt  }
0x56: {  	_ =	shalt  }
0x57: {  	_ =	shalt  }
0x58: {  	_ =	shalt  }
0x59: {  	_ =	shalt  }
0x5a: {  	_ =	shalt  }
0x5b: {  	_ =	shalt  }
0x5c: {  	_ =	shalt  }
0x5d: {  	_ =	shalt  }
0x5e: {  	_ =	shalt  }
0x5f: {  	_ =	shalt  }
0x60: {  	_ =	shalt  }
0x61: {  	_ =	shalt  }
0x62: {  	_ =	shalt  }
0x63: {  	_ =	shalt  }
0x64: {  	_ =	shalt  }
0x65: {  	_ =	shalt  }
0x66: {  	_ =	shalt  }
0x67: {  	_ =	shalt  }
0x68: {  	_ =	shalt  }
0x69: {  	_ =	shalt  }
0x6a: {  	_ =	shalt  }
0x6b: {  	_ =	shalt  }
0x6c: {  	_ =	shalt  }
0x6d: {  	_ =	shalt  }
0x6e: {  	_ =	shalt  }
0x6f: {  	_ =	shalt  }
0x70: {  	_ =	shalt  }
0x71: {  	_ =	shalt  }
0x72: {  	_ =	shalt  }
0x73: {  	_ =	shalt  }
0x74: {  	_ =	shalt  }
0x75: {  	_ =	shalt  }
0x76: {  	_ =	shalt  }
0x77: {  	_ =	shalt  }
0x78: {  	_ =	shalt  }
0x79: {  	_ =	shalt  }
0x7a: {  	_ =	shalt  }
0x7b: {  	_ =	shalt  }
0x7c: {  	_ =	shalt  }
0x7d: {  	_ =	shalt  }
0x7e: {  	_ =	shalt  }
0x7f: {  	_ =	shalt  }
0x80: {  	_ =	shalt  }
0x81: {  	_ =	shalt  }
0x82: {  	_ =	shalt  }
0x83: {  	_ =	shalt  }
0x84: {  	_ =	shalt  }
0x85: {  	_ =	shalt  }
0x86: {  	_ =	shalt  }
0x87: {  	_ =	shalt  }
.Lfunc_end0:
.L_simem_size_0:
called_computation_lowered:
.L_overlay_start_0:
0x88: {  	s2 =	sld [smem:$0x3FD9]  }
0x89: {  	s3 =	sld [smem:$0x3FFE];
	_ =	sdelay $0x1  }
0x8a: {  	s1 =	srdreg.scid  }
0x8b: {  	s0 =	sand.u32 $0x1, s1  }
0x8c: {  	s17 =	sshll.u32 s0, $0xA;
	s2 =	sadd.s32 s3, s2  }
0x8d: {  	s2 =	sadd.s32 s2, s17  }
0x8e: {  	[smem:$0x3FC2] =	sst s2  }
0x8f: {  	_ = 	snop  }
0x90: {  	s18 =	sld [smem:$0x3FC9]  }
0x91: {  	s4 =	sld [smem:$0x3FD0];
	(tm) =	ssettm $0x1  }
0x92: {  	s19 =	sld [smem:$0x3FFB];
	_ =	sdelay $0x3  }
0x93: {  	_ =	strace s19  }
0x94: {  	s2 =	sld [smem:$0x3FFC];
	_ =	sdelay $0x3  }
0x95: {  	_ =	strace s2  }
0x96: {  	s2 =	sld [smem:$0x3FFD];
	_ =	sdelay $0x3  }
0x97: {  	_ =	strace s2  }
0x98: {  	_ =	strace $0x8FFFFFFF  }
0x99: {  	s20 =	sld [smem:$0x3FDB];
	_ =	sdelay $0x1  }
0x9a: {  	s5 =	simm.s32 $_scs_section_size  }
0x9b: {  	s6 =	simm.s32 $_size__tile_overlayer_lowered;
	s7 =	simm.s32 $_tile_overlayer_lowered  }
0x9c: {  	s8 =	simm.s32 $0x1BFF;
	s21 =	sshll.u32 s7, $0x1;
	s5 =	sadd.s32 s5, s20  }
0x9d: {  	s22 =	simm.s32 $0x0;
	s6 =	sshll.u32 s6, $0x1;
	s7 =	sadd.s32 s21, s5  }
0x9e: {  	[timem:s22], [sflag:s8] =	dma.local [hbm:s7], s6  }
0x9f: {  	_ =	swait.ge [sflag:s8], s6  }
0xa0: {  	s6 =	ssub.s32 $0x0, s6;
	[sflag:s8] =	ssyncset.done $0x0  }
0xa1: {  	[sflag:s8] =	ssyncadd.s32 s6;
	_ =	sdelay $0x1  }
0xa2: {  	s23 =	simm.s32 $0x1B8B  }
0xa3: {  	_ =	swait.ge [sflag:s23], $0x1  }
0xa4: {  	[sflag:s23] =	ssyncset.done $0x0  }
0xa5: {  	[sflag:s23] =	ssyncadd.s32 $0xFFFFFFFF  }
0xa6: {  	s6 =	sld [smem:$0x0]  }
0xa7: {  	s7 =	sand.u32 $0xFFFFFFFE, s1  }
0xa8: {  	p0 =	sne.s32 s1, s7  }
0xa9: {  	s7 =	sshll.u32 @p0 s7, $0xE  }
0xaa: {  	s7 =	sadd.s32 @p0 $0x11B8D, s7;
	s8 =	sshll.u32 @p0 s6, $0x11  }
0xab: {  	s7 =	sor.u32 @p0 s8, s7  }
0xac: {  	[sflag:s7] =	ssyncadd.remote.s32 @p0 $0x1;
	_ =	sdelay $0x1  }
0xad: {  	s7 =	simm.s32 @p0 $0x1B8D  }
0xae: {  	_ =	swait.eq @p0 [sflag:s7], $0x1  }
0xaf: {  	[sflag:s7] =	ssyncadd.s32 @p0 $0xFFFFFFFF  }
0xb0: {  	s8 =	sshll.u32 @!p0 s1, $0xE  }
0xb1: {  	s8 =	sor.u32 @!p0 $0x4000, s8;
	s7 =	simm.s32 @!p0 $0x1B8D  }
0xb2: {  	s6 =	sshll.u32 @!p0 s6, $0x11;
	s8 =	sadd.s32 @!p0 $0x11B8D, s8;
	_ =	swait.eq @!p0 [sflag:s7], $0x1  }
0xb3: {  	s6 =	sor.u32 @!p0 s6, s8;
	[sflag:s7] =	ssyncadd.s32 @!p0 $0xFFFFFFFF  }
0xb4: {  	s25 =	simm.s32 $0x1B8E;
	s24 =	sld [smem:$0x3FFE];
	[sflag:s6] =	ssyncadd.remote.s32 @!p0 $0x1  }
0xb5: {  	s26 =	simm.s32 $execute0_lowered;
	[smem:$0x3FD2] =	sst s25  }
0xb6: {  	s7 =	sshll.u32 s26, $0x1;
	_ =	strace $0x8000004C;
	[dreg:$0x1] =	wrdreg $0xFFFFFFFF  }
0xb7: {  	s28 =	simm.s32 $_size_execute0_lowered;
	s5 =	sadd.s32 s5, s7;
	[dreg:$0x0] =	wrdreg $0x0  }
0xb8: {  	s7 =	sshll.u32 s28, $0x1;
	[dreg:$0x2] =	wrdreg s5  }
0xb9: {  	[dreg:$0x3] =	wrdreg s7  }
0xba: {  	[dreg:$0x4] =	wrdreg $0xC0  }
0xbb: {  	_ =	task [dreg:s22], $0x5FFFF  }
0xbc: {  	[dreg:$0x1] =	wrdreg $0xFFFFFFFF  }
0xbd: {  	[dreg:$0x0] =	wrdreg $0x60  }
0xbe: {  	[dreg:$0x2] =	wrdreg s18  }
0xbf: {  	[dreg:$0x3] =	wrdreg s4  }
0xc0: {  	[dreg:$0x4] =	wrdreg s24  }
0xc1: {  	[dreg:$0x5] =	wrdreg $0x0  }
0xc2: {  	[dreg:$0x6] =	wrdreg $0x9  }
0xc3: {  	_ =	task.clear_ibuf [dreg:s22], $0x7FFFF;
	_ =	strace $0x9000004C  }
0xc4: {  	s29 =	simm.s32 $0x9;
	_ =	strace $0x8000004E  }
0xc5: {  	_ =	swait.ge [sflag:s29], $0x1  }
0xc6: {  	[sflag:s29] =	ssyncadd.s32 $0xFFFFFFFF  }
0xc7: {  	_ =	strace $0x9000004E  }
0xc8: {  	_ =	sfence  }
0xc9: {  	s30 =	sld [smem:$0x0];
	_ =	sdelay $0x2  }
0xca: {  	s31 =	sshll.u32 s1, $0xD;
	s1 =	sshrl.u32 s1, $0x2  }
0xcb: {  	s4 =	sand.u32 $0x4000, s31;
	s1 =	sadd.s32 s1, s30  }
0xcc: {  	s0 =	sor.u32 s4, s0;
	s1 =	sshll.u32 s1, $0x11  }
0xcd: {  	s0 =	sor.u32 s1, s0  }
0xce: {  	s0 =	sadd.s32 $0x8F2B, s0  }
0xcf: {  	[sflag:s0] =	ssyncadd.remote.s32 $0x1  }
0xd0: {  	_ =	sfence.sel $0xFFFF  }
0xd1: {  	[dreg:$0x0] =	wrdreg $0xFFFFFFFF;
	(pc) =	sbr.abs _section_cstart, $3  }
0xd2: {  	[dreg:$0x1] =	wrdreg $0xFFFFFFFF  }
0xd3: {  	_ =	task.clear_ibuf [dreg:s22], $0x2FFFF;
	_ =	strace $0x9FFFFFFF  }
0xd4: {  	(tm) =	ssettm $0x7FFFFFFF  }
0xd5: {  	_ =	shalt  }
tec
execute0_lowered:
.L_overlay_start_1:
0x0: {  	(tag) =	ssettag $0x1  }
0x1: {  	s1 =	rddreg [dreg:$0x0]  }
0x2: {  	s4 =	rddreg [dreg:$0x1]  }
0x3: {  	s5 =	rddreg [dreg:$0x2]  }
0x4: {  	s2 =	rddreg [dreg:$0x3]  }
0x5: {  	s0 =	rddreg [dreg:$0x4];
	s3 =	simm.s32 $0x0;
	s6 =	srdreg.scid  }
0x6: {  	s9 =	stileid.u32;
	s11 =	simm.s32 $0x5;
	s12 =	simm.s32 $0x80  }
0x7: {  	s13 =	simm.s32 $0x15880;
	s14 =	simm.s32 $0x1;
	s15 =	simm.s32 $0x13900  }
0x8: {  	s16 =	simm.s32 $0x19880;
	s17 =	simm.s32 $0x2;
	s18 =	simm.s32 $0x3  }
0x9: {  	s19 =	simm.s32 $0x4;
	s20 =	simm.s32 $0x0;
	[smem:$0x7FF] =	sst s3  }
0xa: {  	s7 =	sand.u32 $0x1, s6;
	s8 =	sshll.u32 s9, $0x1;
	s10 =	sadd.s32 $0x60D200, s5  }
0xb: {  	s30 =	sshll.u32 s9, $0x12;
	p0 =	sne.s32 s9, $0x0;
	_ =	strace $0x8000004D  }
0xc: {  	s6 =	ssub.s32 $0x2, s7;
	s8 =	sor.u32 s7, s8;
	s31 =	sshll.u32 s7, $0x11  }
0xd: {  	s9 =	sshrl.u32 @!p0 s2, $0x3;
	s28 =	sshrl.u32 s6, $0x1;
	s29 =	sshll.u32 s8, $0xA  }
0xe: {  	s8 =	sshll.u32 s8, $0x11;
	s6 =	ssub.s32 s6, s28;
	s4 =	sadd.s32 s4, s29  }
0xf: {  	s5 =	sadd.s32 s10, s8;
	s8 =	sadd.s32 s30, s10;
	s10 =	simm.s32 $0x13880  }
0x10: {  	s6 =	smax.u32 s6, $0x1;
	s7 =	sadd.s32 $0x800, s5;
	s8 =	sadd.s32 s31, s8  }
.LBB2_1:
0x11: {  	s21 =	simm.s32 @!p0 $0x1C05  }
0x12: {  	[spmem:s9], [sflag:s21] =	dma.local @!p0 [hbm:s1], $0x27100  }
0x13: {  	s21 =	simm.s32 @!p0 $0x5  }
0x14: {  	_ =	swait.ge @!p0 [sflag:s21], $0x27100  }
0x15: {  	[sflag:s21] =	ssyncset.done @!p0 $0x0  }
0x16: {  	[sflag:s21] =	ssyncadd.s32 @!p0 $0xFFFD8F00  }
0x17: {  	[tilespmem:s10], [sflag:$0x5] =	stream.linear.gather [hbm4b:s4+s3], $0x2000, $0x38;
	[tilespmem:$0x1D880] =	vst v63  }
0x18: {  	_ =	swait.ge [sflag:s11], $0x2000  }
0x19: {  	[sflag:s11] =	ssyncset.done $0x0  }
0x1a: {  	[sflag:s11] =	ssyncadd.s32 $0xFFFFE000  }
0x1b: {  	[bflag:$0x0] =	sbarrier.arrive $0xFFFF  }
0x1c: {  	[tilespmem:s13], [sflag:$0x1] =	stream.indirect.gather [spmem:s2], $0x80, s10, s12, $0xb8;
	[tilespmem:$0x1D880] =	vst v63  }
0x1d: {  	_ =	swait.ge [sflag:s14], $0x4000  }
0x1e: {  	[sflag:s14] =	ssyncset.done $0x0  }
0x1f: {  	[sflag:s14] =	ssyncadd.s32 $0xFFFFC000  }
0x20: {  	[hbm4b:s5+s3] =	stream.linear.scatter [tilespmem:s13], [sflag:$0x3], $0x4000, $0x38;
	[tilespmem:$0x1D880] =	vst v63  }
0x21: {  	_ = 	snop  }
0x22: {  	[tilespmem:s16], [sflag:$0x2] =	stream.indirect.gather [spmem:s2], $0x80, s15, s12, $0xb8;
	[tilespmem:$0x1D880] =	vst v63  }
0x23: {  	_ =	swait.ge [sflag:s17], $0x4000  }
0x24: {  	[sflag:s17] =	ssyncset.done $0x0  }
0x25: {  	[sflag:s17] =	ssyncadd.s32 $0xFFFFC000  }
0x26: {  	[hbm4b:s7+s3] =	stream.linear.scatter [tilespmem:s16], [sflag:$0x4], $0x4000, $0x38;
	[tilespmem:$0x1D880] =	vst v63  }
0x27: {  	_ =	swait.ge [sflag:s18], $0x4000  }
0x28: {  	[sflag:s18] =	ssyncset.done $0x0  }
0x29: {  	s29 =	simm.s32 $0x13980;
	[sflag:s18] =	ssyncadd.s32 $0xFFFFC000  }
0x2a: {  	[tilespmem:s13], [sflag:$0x1] =	stream.indirect.gather [spmem:s2], $0x80, s29, s12, $0xb8;
	[tilespmem:$0x1D880] =	vst v63  }
0x2b: {  	_ =	swait.ge [sflag:s14], $0x4000  }
0x2c: {  	s22 =	sadd.s32 $0x0, s8;
	[sflag:s14] =	ssyncset.done $0x0  }
0x2d: {  	s30 =	sadd.s32 $0x1000, s22;
	[sflag:s14] =	ssyncadd.s32 $0xFFFFC000  }
0x2e: {  	[hbm4b:s30+s3] =	stream.linear.scatter [tilespmem:s13], [sflag:$0x3], $0x4000, $0x38;
	[tilespmem:$0x1D880] =	vst v63  }
0x2f: {  	_ =	swait.ge [sflag:s19], $0x4000  }
0x30: {  	[sflag:s19] =	ssyncset.done $0x0  }
0x31: {  	s31 =	simm.s32 $0x13A00;
	[sflag:s19] =	ssyncadd.s32 $0xFFFFC000  }
0x32: {  	[tilespmem:s16], [sflag:$0x2] =	stream.indirect.gather [spmem:s2], $0x80, s31, s12, $0xb8;
	[tilespmem:$0x1D880] =	vst v63  }
0x33: {  	_ =	swait.ge [sflag:s17], $0x4000  }
0x34: {  	s23 =	sadd.s32 $0x1800, s22;
	[sflag:s17] =	ssyncset.done $0x0  }
0x35: {  	s22 =	simm.s32 $0x13B00;
	s21 =	simm.s32 $0x1000;
	[sflag:s17] =	ssyncadd.s32 $0xFFFFC000  }
.LBB2_2:
0x36: {  	[hbm4b:s23+s3] =	stream.linear.scatter [tilespmem:s16], [sflag:$0x4], $0x4000, $0x38;
	[tilespmem:$0x1D880] =	vst v63  }
0x37: {  	s23 =	smov.u32 s21  }
0x38: {  	p1 =	sne.s32 s21, $0x1E000;
	s21 =	sadd.s32 $0x1000, s21;
	_ =	swait.ge [sflag:s18], $0x4000  }
0x39: {  	[sflag:s18] =	ssyncset.done $0x0  }
0x3a: {  	s24 =	sadd.s32 $0xFFFFFF80, s22;
	[sflag:s18] =	ssyncadd.s32 $0xFFFFC000  }
0x3b: {  	[tilespmem:s13], [sflag:$0x1] =	stream.indirect.gather [spmem:s2], $0x80, s24, s12, $0xb8;
	[tilespmem:$0x1D880] =	vst v63  }
0x3c: {  	_ =	swait.ge [sflag:s14], $0x4000  }
0x3d: {  	s23 =	sadd.s32 s23, s8;
	[sflag:s14] =	ssyncset.done $0x0  }
0x3e: {  	s24 =	sadd.s32 $0x1000, s23;
	[sflag:s14] =	ssyncadd.s32 $0xFFFFC000  }
0x3f: {  	[hbm4b:s24+s3] =	stream.linear.scatter [tilespmem:s13], [sflag:$0x3], $0x4000, $0x38;
	[tilespmem:$0x1D880] =	vst v63  }
0x40: {  	_ =	swait.ge [sflag:s19], $0x4000  }
0x41: {  	[sflag:s19] =	ssyncset.done $0x0  }
.Ltmp0:
0x42: {  	[sflag:s19] =	ssyncadd.s32 $0xFFFFC000;
	(pc) =	sbr.rel @p1 .LBB2_2-.Ltmp0, $4  }
0x43: {  	[tilespmem:s16], [sflag:$0x2] =	stream.indirect.gather [spmem:s2], $0x80, s22, s12, $0xb8;
	[tilespmem:$0x1D880] =	vst v63  }
0x44: {  	_ =	swait.ge [sflag:s17], $0x4000  }
0x45: {  	[sflag:s17] =	ssyncset.done $0x0  }
0x46: {  	s23 =	sadd.s32 $0x1800, s23;
	s22 =	sadd.s32 $0x100, s22;
	[sflag:s17] =	ssyncadd.s32 $0xFFFFC000  }
0x47: {  	[hbm4b:s23+s3] =	stream.linear.scatter [tilespmem:s16], [sflag:$0x4], $0x4000, $0x38;
	[tilespmem:$0x1D880] =	vst v63  }
0x48: {  	s20 =	sadd.s32 $0x1, s20  }
0x49: {  	_ =	swait.ge [sflag:s18], $0x4000;
	p1 =	sne.s32 s20, s6  }
.Ltmp1:
0x4a: {  	[sflag:s18] =	ssyncset.done $0x0;
	(pc) =	sbr.rel @p1 .LBB2_1-.Ltmp1, $4  }
0x4b: {  	[sflag:s18] =	ssyncadd.s32 $0xFFFFC000  }
0x4c: {  	_ =	swait.ge [sflag:s19], $0x4000  }
0x4d: {  	[sflag:s19] =	ssyncset.done $0x0  }
0x4e: {  	[sflag:s19] =	ssyncadd.s32 $0xFFFFC000  }
0x4f: {  	_ =	sfence.sel $0x180000  }
0x50: {  	[bflag:$0x0] =	sbarrier.arrive $0xFFFF  }
0x51: {  	_ =	strace $0x9000004D  }
0x52: {  	s0 =	sadd.s32 @!p0 $0x100000, s0;
	[bflag:$0x2] =	sbarrier.arrive $0xFFFF  }
0x53: {  	[sflag:s0] =	ssyncadd.tile.s32 @!p0 $0x1;
	_ =	shalt  }
.Lfunc_end2:
_tile_overlayer_lowered:
.L_overlay_start_2:
0x54: {  	(tag) =	ssettag $0x2  }
0x55: {  	s0 =	rddreg [dreg:$0x0];
	s2 =	stileid.u32  }
0x56: {  	s1 =	rddreg [dreg:$0x1];
	p0 =	sne.s32 s2, $0x0  }
0x57: {  	s3 =	rddreg [dreg:$0x2];
	[bflag:$0x3] =	sbarrier.arrive $0xFFFF;
	s2 =	simm.s32 @!p0 $0x1C05  }
0x58: {  	[timem:s3], [sflag:s2] =	dma.local @!p0 [hbm:s0], s1  }
0x59: {  	s0 =	simm.s32 @!p0 $0x5  }
0x5a: {  	_ =	swait.ge @!p0 [sflag:s0], s1  }
0x5b: {  	s1 =	ssub.s32 @!p0 $0x0, s1;
	[sflag:s0] =	ssyncset.done @!p0 $0x0  }
0x5c: {  	[sflag:s0] =	ssyncadd.s32 @!p0 s1  }
0x5d: {  	[bflag:$0x3] =	sbarrier.arrive $0xFFFF  }
0x5e: {  	_ =	shalt  }

</sc_bundles>
